<compile_context>
chip_gen: v7x
topology: tpu7x:2x2x1
jax: 0.10.2.dev20260603
libtpu: 0.0.44.dev20260713+nightly
codegen_flags: <defaults>
</compile_context>

<pallas_src>
import functools

import jax
import jax.numpy as jnp
from jax import lax
from jax.experimental import pallas as pl
from jax.experimental.pallas import tpu as pltpu
from jax.experimental.pallas import tpu_sc as plsc

N_NODES = 10000
D = 128
DH = D // 2

NUM_CORES = 2
NUM_SUBCORES = 16
K = 80
CH = 25

PAD_ROWS = 10112
ROWS_PER_SUB = PAD_ROWS // NUM_SUBCORES


def _sc_spmm(NB):
    mesh = plsc.VectorSubcoreMesh(
        core_axis_name="c", subcore_axis_name="s",
        num_cores=NUM_CORES, num_subcores=NUM_SUBCORES)

    @functools.partial(
        pl.kernel,
        out_type=jax.ShapeDtypeStruct((NUM_CORES, PAD_ROWS, DH), jnp.float32),
        mesh=mesh,
        scratch_types=dict(
            sbuf=pltpu.VMEM((4, K), jnp.int32),
            dst_c=pltpu.VMEM((2, CH * K), jnp.int32),
            rows_v=pltpu.VMEM((4, K, DH), jnp.float32),
            xsh=pltpu.VMEM_SHARED((PAD_ROWS, DH), jnp.float32),
            acc=pltpu.VMEM_SHARED((PAD_ROWS, DH), jnp.float32),
            sem_i=pltpu.SemaphoreType.DMA((4,)),
            sem_r=pltpu.SemaphoreType.DMA((4,)),
            sem_w=pltpu.SemaphoreType.DMA((4,)),
            sem_d=pltpu.SemaphoreType.DMA((2,)),
        ),
        compiler_params=pltpu.CompilerParams(use_tc_tiling_on_sc=False),
    )
    def spmm(x_hbm, ei_hbm, out_hbm,
             sbuf, dst_c, rows_v, xsh, acc, sem_i, sem_r, sem_w, sem_d):
        src_hbm = ei_hbm.at[0]
        dst_hbm = ei_hbm.at[1]
        NCH = NB // CH
        c = lax.axis_index("c")
        s = lax.axis_index("s")
        ebase = s * (NB * K)

        col = pl.ds(c * DH, DH)
        last_rows = N_NODES - (NUM_SUBCORES - 1) * ROWS_PER_SUB

        @pl.when(s < NUM_SUBCORES - 1)
        def _():
            rows = pl.ds(s * ROWS_PER_SUB, ROWS_PER_SUB)
            pltpu.sync_copy(x_hbm.at[rows, col], xsh.at[rows])
            pltpu.sync_copy(x_hbm.at[rows, col], acc.at[rows])

        @pl.when(s == NUM_SUBCORES - 1)
        def _():
            rows = pl.ds((NUM_SUBCORES - 1) * ROWS_PER_SUB, last_rows)
            pltpu.sync_copy(x_hbm.at[rows, col], xsh.at[rows])
            pltpu.sync_copy(x_hbm.at[rows, col], acc.at[rows])

        pltpu.sync_copy(dst_hbm.at[pl.ds(ebase, CH * K)], dst_c.at[0])
        plsc.subcore_barrier()

        def idx_copy(j, slot):
            return pltpu.make_async_copy(src_hbm.at[pl.ds(ebase + j * K, K)],
                                         sbuf.at[slot], sem_i.at[slot])

        def gather(j, slot):
            return pltpu.make_async_copy(xsh.at[sbuf.at[slot]],
                                         rows_v.at[slot], sem_r.at[slot])

        def scatter(qb, jj, slot):
            return pltpu.make_async_copy(
                rows_v.at[slot], acc.at[dst_c.at[qb].at[pl.ds(jj * K, K)]],
                sem_w.at[slot])

        pltpu.sync_copy(src_hbm.at[pl.ds(ebase, K)], sbuf.at[0])
        idx_copy(1, 1).start()
        idx_copy(2, 2).start()
        gather(0, 0).start()
        idx_copy(1, 1).wait()
        gather(1, 1).start()

        def chunk(q, _):
            qb = lax.rem(q, 2)

            @pl.when(q + 1 < NCH)
            def _():
                pltpu.async_copy(
                    dst_hbm.at[pl.ds(ebase + (q + 1) * CH * K, CH * K)],
                    dst_c.at[lax.rem(q + 1, 2)],
                    sem_d.at[lax.rem(q + 1, 2)])

            @pl.when(q > 0)
            def _():
                pltpu.make_async_copy(
                    dst_hbm.at[pl.ds(ebase + q * CH * K, CH * K)],
                    dst_c.at[qb], sem_d.at[qb]).wait()

            def step(jj, _):
                g = q * CH + jj
                b = lax.rem(g, 4)

                gather(g, b).wait()
                scatter(qb, jj, b).start(add=True)

                @pl.when(jj >= 2)
                def _():
                    scatter(qb, jj - 2, lax.rem(g + 2, 4)).wait()

                @pl.when(g + 2 < NB)
                def _():
                    idx_copy(g + 2, lax.rem(g + 2, 4)).wait()
                    gather(g + 2, lax.rem(g + 2, 4)).start()

                @pl.when(g + 3 < NB)
                def _():
                    idx_copy(g + 3, lax.rem(g + 3, 4)).start()

                return 0

            lax.fori_loop(0, CH, step, 0)
            scatter(qb, CH - 2, lax.rem(q * CH + CH - 2, 4)).wait()
            scatter(qb, CH - 1, lax.rem(q * CH + CH - 1, 4)).wait()
            return 0

        lax.fori_loop(0, NCH, chunk, 0)
        plsc.subcore_barrier()

        rs = pl.ds(s * ROWS_PER_SUB, ROWS_PER_SUB)
        pltpu.sync_copy(acc.at[rs], out_hbm.at[c].at[rs])

    return spmm


def _tc_body(agg_ref, w_ref, o_ref):
    xa = jnp.concatenate([agg_ref[0], agg_ref[1]], axis=1)
    o_ref[...] = jnp.dot(xa, w_ref[...], preferred_element_type=jnp.float32)


def kernel(X, edge_index, weight):
    E = edge_index.shape[1]
    NB = E // (NUM_SUBCORES * K)

    agg = _sc_spmm(NB)(X, edge_index)

    n = X.shape[0]
    bm = 1000
    out = pl.pallas_call(
        _tc_body,
        grid=(n // bm,),
        in_specs=[
            pl.BlockSpec((NUM_CORES, bm, DH), lambda i: (0, i, 0)),
            pl.BlockSpec((D, D), lambda i: (0, 0)),
        ],
        out_specs=pl.BlockSpec((bm, D), lambda i: (i, 0)),
        out_shape=jax.ShapeDtypeStruct((n, D), jnp.float32),
    )(agg, weight)
    return out

# --- scband reference (transcript-rebuilt; emitter-appended) ---
"""Pipeline reference for scband-ginconv-57767310131237 (READ-ONLY COPY).

The authoritative reference and input builder live on the scoring server;
editing this copy changes nothing except your own understanding.
"""

import jax, jax.numpy as jnp
import numpy as np
import math

N_NODES = 10000
N_EDGES = 320000
D_IN = 128
D_OUT = 128


def setup_inputs(seed: int = 0) -> dict:
    key = jax.random.key(seed)
    k1, k2, k3 = jax.random.split(key, 3)
    X = jax.random.normal(k1, (N_NODES, D_IN), dtype=jnp.float32)
    edge_index = jax.random.randint(k2, (2, N_EDGES), 0, N_NODES, dtype=jnp.int32)
    stdv = 1.0 / math.sqrt(D_OUT)
    weight = jax.random.uniform(k3, (D_IN, D_OUT), dtype=jnp.float32, minval=-stdv, maxval=stdv)
    return {"X": X, "edge_index": edge_index, "weight": weight}


def reference(X, edge_index, weight):
    # GIN_spmm: sum-aggregation SpMM over the adjacency (with self term, eps=0):
    #   X_agg = X + A @ X, where A is given by edge_index (src -> dst)
    src = edge_index[0]
    dst = edge_index[1]
    msgs = jnp.take(X, src, axis=0)                       # gather  [E, D_IN]
    agg = jax.ops.segment_sum(msgs, dst, num_segments=N_NODES)  # scatter-add [N, D_IN]
    X_agg = X + agg
    # X_prime = X_agg @ W  (dense update, as in GINFunction.forward)
    X_prime = jnp.matmul(X_agg, weight)
    return X_prime

if __name__ == "__main__":
    import jax
    _d = setup_inputs()
    print(jax.jit(kernel)(*tuple(_d.values())))

</pallas_src>

<mosaic_0001>
#map = affine_map<(d0, d1) -> (0, 0)>
#map1 = affine_map<(d0, d1) -> (0, 0, 0)>
module attributes {stable_mosaic.version = 14 : i64} {
  func.func @spmm(%arg0: i32, %arg1: i32, %arg2: memref<10000x128xf32, #tpu.memory_space<hbm>>, %arg3: memref<2x320000xi32, #tpu.memory_space<hbm>>, %arg4: memref<2x10112x64xf32, #tpu.memory_space<hbm>>, %arg5: memref<10112x64xf32, #tpu.memory_space<vmem_shared>>, %arg6: memref<2x2000xi32, #tpu.memory_space<vmem>>, %arg7: memref<4x80x64xf32, #tpu.memory_space<vmem>>, %arg8: memref<4x80xi32, #tpu.memory_space<vmem>>, %arg9: memref<2x!tpu.dma_semaphore, #tpu.memory_space<semaphore_mem>>, %arg10: memref<4x!tpu.dma_semaphore, #tpu.memory_space<semaphore_mem>>, %arg11: memref<4x!tpu.dma_semaphore, #tpu.memory_space<semaphore_mem>>, %arg12: memref<4x!tpu.dma_semaphore, #tpu.memory_space<semaphore_mem>>, %arg13: memref<10112x64xf32, #tpu.memory_space<vmem_shared>>) attributes {dimension_semantics = [#tpu.dimension_semantics<core_parallel>, #tpu.dimension_semantics<subcore_parallel>], iteration_bounds = array<i64: 2, 16>, scalar_prefetch = 0 : i64, scratch_operands = 9 : i64, tpu.core_type = #tpu.core_type<sc_vector_subcore>, window_params = [{transform_indices = #map}, {transform_indices = #map}, {transform_indices = #map1}]} {
    %mul3A = arith.constant 20000 : i32
    %mul3A_0 = arith.muli %arg1, %mul3A : i32
    %mul3A_1 = arith.constant 64 : i32
    %mul3A_2 = arith.muli %arg0, %mul3A_1 : i32
    %lt3A = arith.constant 15 : i32
    %lt3A_3 = arith.cmpi slt, %arg1, %lt3A : i32
    %convert_element_type3A = arith.extui %lt3A_3 : i1 to i32
    %cond3A = arith.constant 0 : i32
    %cond3A_4 = arith.cmpi ne, %convert_element_type3A, %cond3A : i32
    scf.if %cond3A_4 {
      %mul3A_113 = arith.constant 632 : i32
      %mul3A_114 = arith.muli %arg1, %mul3A_113 : i32
      "tpu.region"() ({
        %run_scoped3A_115 = tpu.sem_alloc : memref<!tpu.dma_semaphore, #tpu.memory_space<semaphore_mem>>
        %dma_start3A_116 = arith.constant 0 : i32
        %dma_start3A_117 = tpu.memref_slice %arg13[%mul3A_114, %dma_start3A_116] : memref<10112x64xf32, #tpu.memory_space<vmem_shared>> -> memref<632x64xf32, #tpu.memory_space<vmem_shared>>
        %dma_start3A_118 = tpu.memref_slice %arg2[%mul3A_114, %mul3A_2] : memref<10000x128xf32, #tpu.memory_space<hbm>> -> memref<632x64xf32, #tpu.memory_space<hbm>>
        tpu.enqueue_dma source(%dma_start3A_118 : memref<632x64xf32, #tpu.memory_space<hbm>>) target(%dma_start3A_117 : memref<632x64xf32, #tpu.memory_space<vmem_shared>>) target_semaphore(%run_scoped3A_115 : memref<!tpu.dma_semaphore, #tpu.memory_space<semaphore_mem>>)
        %dma_wait3A_119 = arith.constant 0 : i32
        %dma_wait3A_120 = tpu.memref_slice %arg13[%mul3A_114, %dma_wait3A_119] : memref<10112x64xf32, #tpu.memory_space<vmem_shared>> -> memref<632x64xf32, #tpu.memory_space<vmem_shared>>
        %dma_wait3A_121 = tpu.memref_slice %arg2[%mul3A_114, %mul3A_2] : memref<10000x128xf32, #tpu.memory_space<hbm>> -> memref<632x64xf32, #tpu.memory_space<hbm>>
        tpu.wait_dma2 semaphore(%run_scoped3A_115 : memref<!tpu.dma_semaphore, #tpu.memory_space<semaphore_mem>>) src(%dma_wait3A_121 : memref<632x64xf32, #tpu.memory_space<hbm>>) dst(%dma_wait3A_120 : memref<632x64xf32, #tpu.memory_space<vmem_shared>>)
        tpu.yield
      }) : () -> ()
      "tpu.region"() ({
        %run_scoped3A_115 = tpu.sem_alloc : memref<!tpu.dma_semaphore, #tpu.memory_space<semaphore_mem>>
        %dma_start3A_116 = arith.constant 0 : i32
        %dma_start3A_117 = tpu.memref_slice %arg5[%mul3A_114, %dma_start3A_116] : memref<10112x64xf32, #tpu.memory_space<vmem_shared>> -> memref<632x64xf32, #tpu.memory_space<vmem_shared>>
        %dma_start3A_118 = tpu.memref_slice %arg2[%mul3A_114, %mul3A_2] : memref<10000x128xf32, #tpu.memory_space<hbm>> -> memref<632x64xf32, #tpu.memory_space<hbm>>
        tpu.enqueue_dma source(%dma_start3A_118 : memref<632x64xf32, #tpu.memory_space<hbm>>) target(%dma_start3A_117 : memref<632x64xf32, #tpu.memory_space<vmem_shared>>) target_semaphore(%run_scoped3A_115 : memref<!tpu.dma_semaphore, #tpu.memory_space<semaphore_mem>>)
        %dma_wait3A_119 = arith.constant 0 : i32
        %dma_wait3A_120 = tpu.memref_slice %arg5[%mul3A_114, %dma_wait3A_119] : memref<10112x64xf32, #tpu.memory_space<vmem_shared>> -> memref<632x64xf32, #tpu.memory_space<vmem_shared>>
        %dma_wait3A_121 = tpu.memref_slice %arg2[%mul3A_114, %mul3A_2] : memref<10000x128xf32, #tpu.memory_space<hbm>> -> memref<632x64xf32, #tpu.memory_space<hbm>>
        tpu.wait_dma2 semaphore(%run_scoped3A_115 : memref<!tpu.dma_semaphore, #tpu.memory_space<semaphore_mem>>) src(%dma_wait3A_121 : memref<632x64xf32, #tpu.memory_space<hbm>>) dst(%dma_wait3A_120 : memref<632x64xf32, #tpu.memory_space<vmem_shared>>)
        tpu.yield
      }) : () -> ()
    } else {
    }
    %eq3A = arith.constant 15 : i32
    %eq3A_5 = arith.cmpi eq, %arg1, %eq3A : i32
    %convert_element_type3A_6 = arith.extui %eq3A_5 : i1 to i32
    %cond3A_7 = arith.constant 0 : i32
    %cond3A_8 = arith.cmpi ne, %convert_element_type3A_6, %cond3A_7 : i32
    scf.if %cond3A_8 {
      "tpu.region"() ({
        %run_scoped3A_113 = tpu.sem_alloc : memref<!tpu.dma_semaphore, #tpu.memory_space<semaphore_mem>>
        %dma_start3A_114 = arith.constant 9480 : i32
        %dma_start3A_115 = arith.constant 0 : i32
        %dma_start3A_116 = tpu.memref_slice %arg13[%dma_start3A_114, %dma_start3A_115] : memref<10112x64xf32, #tpu.memory_space<vmem_shared>> -> memref<520x64xf32, #tpu.memory_space<vmem_shared>>
        %dma_start3A_117 = arith.constant 9480 : i32
        %dma_start3A_118 = tpu.memref_slice %arg2[%dma_start3A_117, %mul3A_2] : memref<10000x128xf32, #tpu.memory_space<hbm>> -> memref<520x64xf32, #tpu.memory_space<hbm>>
        tpu.enqueue_dma source(%dma_start3A_118 : memref<520x64xf32, #tpu.memory_space<hbm>>) target(%dma_start3A_116 : memref<520x64xf32, #tpu.memory_space<vmem_shared>>) target_semaphore(%run_scoped3A_113 : memref<!tpu.dma_semaphore, #tpu.memory_space<semaphore_mem>>)
        %dma_wait3A_119 = arith.constant 9480 : i32
        %dma_wait3A_120 = arith.constant 0 : i32
        %dma_wait3A_121 = tpu.memref_slice %arg13[%dma_wait3A_119, %dma_wait3A_120] : memref<10112x64xf32, #tpu.memory_space<vmem_shared>> -> memref<520x64xf32, #tpu.memory_space<vmem_shared>>
        %dma_wait3A_122 = arith.constant 9480 : i32
        %dma_wait3A_123 = tpu.memref_slice %arg2[%dma_wait3A_122, %mul3A_2] : memref<10000x128xf32, #tpu.memory_space<hbm>> -> memref<520x64xf32, #tpu.memory_space<hbm>>
        tpu.wait_dma2 semaphore(%run_scoped3A_113 : memref<!tpu.dma_semaphore, #tpu.memory_space<semaphore_mem>>) src(%dma_wait3A_123 : memref<520x64xf32, #tpu.memory_space<hbm>>) dst(%dma_wait3A_121 : memref<520x64xf32, #tpu.memory_space<vmem_shared>>)
        tpu.yield
      }) : () -> ()
      "tpu.region"() ({
        %run_scoped3A_113 = tpu.sem_alloc : memref<!tpu.dma_semaphore, #tpu.memory_space<semaphore_mem>>
        %dma_start3A_114 = arith.constant 9480 : i32
        %dma_start3A_115 = arith.constant 0 : i32
        %dma_start3A_116 = tpu.memref_slice %arg5[%dma_start3A_114, %dma_start3A_115] : memref<10112x64xf32, #tpu.memory_space<vmem_shared>> -> memref<520x64xf32, #tpu.memory_space<vmem_shared>>
        %dma_start3A_117 = arith.constant 9480 : i32
        %dma_start3A_118 = tpu.memref_slice %arg2[%dma_start3A_117, %mul3A_2] : memref<10000x128xf32, #tpu.memory_space<hbm>> -> memref<520x64xf32, #tpu.memory_space<hbm>>
        tpu.enqueue_dma source(%dma_start3A_118 : memref<520x64xf32, #tpu.memory_space<hbm>>) target(%dma_start3A_116 : memref<520x64xf32, #tpu.memory_space<vmem_shared>>) target_semaphore(%run_scoped3A_113 : memref<!tpu.dma_semaphore, #tpu.memory_space<semaphore_mem>>)
        %dma_wait3A_119 = arith.constant 9480 : i32
        %dma_wait3A_120 = arith.constant 0 : i32
        %dma_wait3A_121 = tpu.memref_slice %arg5[%dma_wait3A_119, %dma_wait3A_120] : memref<10112x64xf32, #tpu.memory_space<vmem_shared>> -> memref<520x64xf32, #tpu.memory_space<vmem_shared>>
        %dma_wait3A_122 = arith.constant 9480 : i32
        %dma_wait3A_123 = tpu.memref_slice %arg2[%dma_wait3A_122, %mul3A_2] : memref<10000x128xf32, #tpu.memory_space<hbm>> -> memref<520x64xf32, #tpu.memory_space<hbm>>
        tpu.wait_dma2 semaphore(%run_scoped3A_113 : memref<!tpu.dma_semaphore, #tpu.memory_space<semaphore_mem>>) src(%dma_wait3A_123 : memref<520x64xf32, #tpu.memory_space<hbm>>) dst(%dma_wait3A_121 : memref<520x64xf32, #tpu.memory_space<vmem_shared>>)
        tpu.yield
      }) : () -> ()
    } else {
    }
    %run_scoped3A = arith.constant 1 : i32
    %run_scoped3A_9 = arith.constant 0 : i32
    "tpu.region"() ({
      %run_scoped3A_113 = tpu.sem_alloc : memref<!tpu.dma_semaphore, #tpu.memory_space<semaphore_mem>>
      %dma_start3A_114 = arith.constant 0 : i32
      %dma_start3A_115 = tpu.memref_slice %arg6[%run_scoped3A_9, %dma_start3A_114] : memref<2x2000xi32, #tpu.memory_space<vmem>> -> memref<1x2000xi32, #tpu.memory_space<vmem>>
      %dma_start3A_116 = tpu.memref_squeeze %dma_start3A_115 : memref<1x2000xi32, #tpu.memory_space<vmem>> -> memref<2000xi32, #tpu.memory_space<vmem>>
      %dma_start3A_117 = arith.constant 0 : i32
      %dma_start3A_118 = tpu.memref_slice %arg3[%run_scoped3A, %dma_start3A_117] : memref<2x320000xi32, #tpu.memory_space<hbm>> -> memref<1x320000xi32, #tpu.memory_space<hbm>>
      %dma_start3A_119 = tpu.memref_squeeze %dma_start3A_118 : memref<1x320000xi32, #tpu.memory_space<hbm>> -> memref<320000xi32, #tpu.memory_space<hbm>>
      %dma_start3A_120 = tpu.memref_slice %dma_start3A_119[%mul3A_0] : memref<320000xi32, #tpu.memory_space<hbm>> -> memref<2000xi32, #tpu.memory_space<hbm>>
      %dma_start3A_121 = arith.constant 0 : i32
      %dma_start3A_122 = tpu.memref_slice %arg6[%run_scoped3A_9, %dma_start3A_121] : memref<2x2000xi32, #tpu.memory_space<vmem>> -> memref<1x2000xi32, #tpu.memory_space<vmem>>
      %dma_start3A_123 = tpu.memref_squeeze %dma_start3A_122 : memref<1x2000xi32, #tpu.memory_space<vmem>> -> memref<2000xi32, #tpu.memory_space<vmem>>
      %dma_start3A_124 = arith.constant 0 : i32
      %dma_start3A_125 = tpu.memref_slice %arg3[%run_scoped3A, %dma_start3A_124] : memref<2x320000xi32, #tpu.memory_space<hbm>> -> memref<1x320000xi32, #tpu.memory_space<hbm>>
      %dma_start3A_126 = tpu.memref_squeeze %dma_start3A_125 : memref<1x320000xi32, #tpu.memory_space<hbm>> -> memref<320000xi32, #tpu.memory_space<hbm>>
      %dma_start3A_127 = tpu.memref_slice %dma_start3A_126[%mul3A_0] : memref<320000xi32, #tpu.memory_space<hbm>> -> memref<2000xi32, #tpu.memory_space<hbm>>
      tpu.enqueue_dma source(%dma_start3A_127 : memref<2000xi32, #tpu.memory_space<hbm>>) target(%dma_start3A_123 : memref<2000xi32, #tpu.memory_space<vmem>>) target_semaphore(%run_scoped3A_113 : memref<!tpu.dma_semaphore, #tpu.memory_space<semaphore_mem>>)
      %dma_wait3A_128 = arith.constant 0 : i32
      %dma_wait3A_129 = tpu.memref_slice %arg6[%run_scoped3A_9, %dma_wait3A_128] : memref<2x2000xi32, #tpu.memory_space<vmem>> -> memref<1x2000xi32, #tpu.memory_space<vmem>>
      %dma_wait3A_130 = tpu.memref_squeeze %dma_wait3A_129 : memref<1x2000xi32, #tpu.memory_space<vmem>> -> memref<2000xi32, #tpu.memory_space<vmem>>
      %dma_wait3A_131 = arith.constant 0 : i32
      %dma_wait3A_132 = tpu.memref_slice %arg3[%run_scoped3A, %dma_wait3A_131] : memref<2x320000xi32, #tpu.memory_space<hbm>> -> memref<1x320000xi32, #tpu.memory_space<hbm>>
      %dma_wait3A_133 = tpu.memref_squeeze %dma_wait3A_132 : memref<1x320000xi32, #tpu.memory_space<hbm>> -> memref<320000xi32, #tpu.memory_space<hbm>>
      %dma_wait3A_134 = tpu.memref_slice %dma_wait3A_133[%mul3A_0] : memref<320000xi32, #tpu.memory_space<hbm>> -> memref<2000xi32, #tpu.memory_space<hbm>>
      %dma_wait3A_135 = arith.constant 0 : i32
      %dma_wait3A_136 = tpu.memref_slice %arg6[%run_scoped3A_9, %dma_wait3A_135] : memref<2x2000xi32, #tpu.memory_space<vmem>> -> memref<1x2000xi32, #tpu.memory_space<vmem>>
      %dma_wait3A_137 = tpu.memref_squeeze %dma_wait3A_136 : memref<1x2000xi32, #tpu.memory_space<vmem>> -> memref<2000xi32, #tpu.memory_space<vmem>>
      %dma_wait3A_138 = arith.constant 0 : i32
      %dma_wait3A_139 = tpu.memref_slice %arg3[%run_scoped3A, %dma_wait3A_138] : memref<2x320000xi32, #tpu.memory_space<hbm>> -> memref<1x320000xi32, #tpu.memory_space<hbm>>
      %dma_wait3A_140 = tpu.memref_squeeze %dma_wait3A_139 : memref<1x320000xi32, #tpu.memory_space<hbm>> -> memref<320000xi32, #tpu.memory_space<hbm>>
      %dma_wait3A_141 = tpu.memref_slice %dma_wait3A_140[%mul3A_0] : memref<320000xi32, #tpu.memory_space<hbm>> -> memref<2000xi32, #tpu.memory_space<hbm>>
      tpu.wait_dma2 semaphore(%run_scoped3A_113 : memref<!tpu.dma_semaphore, #tpu.memory_space<semaphore_mem>>) src(%dma_wait3A_141 : memref<2000xi32, #tpu.memory_space<hbm>>) dst(%dma_wait3A_137 : memref<2000xi32, #tpu.memory_space<vmem>>)
      tpu.yield
    }) : () -> ()
    %barrier3A = arith.constant 0 : index
    tpu.barrier barrier_id(%barrier3A)
    %run_scoped3A_10 = arith.constant 0 : i32
    %run_scoped3A_11 = arith.constant 0 : i32
    "tpu.region"() ({
      %run_scoped3A_113 = tpu.sem_alloc : memref<!tpu.dma_semaphore, #tpu.memory_space<semaphore_mem>>
      %dma_start3A_114 = arith.constant 0 : i32
      %dma_start3A_115 = tpu.memref_slice %arg8[%run_scoped3A_11, %dma_start3A_114] : memref<4x80xi32, #tpu.memory_space<vmem>> -> memref<1x80xi32, #tpu.memory_space<vmem>>
      %dma_start3A_116 = tpu.memref_squeeze %dma_start3A_115 : memref<1x80xi32, #tpu.memory_space<vmem>> -> memref<80xi32, #tpu.memory_space<vmem>>
      %dma_start3A_117 = arith.constant 0 : i32
      %dma_start3A_118 = tpu.memref_slice %arg3[%run_scoped3A_10, %dma_start3A_117] : memref<2x320000xi32, #tpu.memory_space<hbm>> -> memref<1x320000xi32, #tpu.memory_space<hbm>>
      %dma_start3A_119 = tpu.memref_squeeze %dma_start3A_118 : memref<1x320000xi32, #tpu.memory_space<hbm>> -> memref<320000xi32, #tpu.memory_space<hbm>>
      %dma_start3A_120 = tpu.memref_slice %dma_start3A_119[%mul3A_0] : memref<320000xi32, #tpu.memory_space<hbm>> -> memref<80xi32, #tpu.memory_space<hbm>>
      %dma_start3A_121 = arith.constant 0 : i32
      %dma_start3A_122 = tpu.memref_slice %arg8[%run_scoped3A_11, %dma_start3A_121] : memref<4x80xi32, #tpu.memory_space<vmem>> -> memref<1x80xi32, #tpu.memory_space<vmem>>
      %dma_start3A_123 = tpu.memref_squeeze %dma_start3A_122 : memref<1x80xi32, #tpu.memory_space<vmem>> -> memref<80xi32, #tpu.memory_space<vmem>>
      %dma_start3A_124 = arith.constant 0 : i32
      %dma_start3A_125 = tpu.memref_slice %arg3[%run_scoped3A_10, %dma_start3A_124] : memref<2x320000xi32, #tpu.memory_space<hbm>> -> memref<1x320000xi32, #tpu.memory_space<hbm>>
      %dma_start3A_126 = tpu.memref_squeeze %dma_start3A_125 : memref<1x320000xi32, #tpu.memory_space<hbm>> -> memref<320000xi32, #tpu.memory_space<hbm>>
      %dma_start3A_127 = tpu.memref_slice %dma_start3A_126[%mul3A_0] : memref<320000xi32, #tpu.memory_space<hbm>> -> memref<80xi32, #tpu.memory_space<hbm>>
      tpu.enqueue_dma source(%dma_start3A_127 : memref<80xi32, #tpu.memory_space<hbm>>) target(%dma_start3A_123 : memref<80xi32, #tpu.memory_space<vmem>>) target_semaphore(%run_scoped3A_113 : memref<!tpu.dma_semaphore, #tpu.memory_space<semaphore_mem>>)
      %dma_wait3A_128 = arith.constant 0 : i32
      %dma_wait3A_129 = tpu.memref_slice %arg8[%run_scoped3A_11, %dma_wait3A_128] : memref<4x80xi32, #tpu.memory_space<vmem>> -> memref<1x80xi32, #tpu.memory_space<vmem>>
      %dma_wait3A_130 = tpu.memref_squeeze %dma_wait3A_129 : memref<1x80xi32, #tpu.memory_space<vmem>> -> memref<80xi32, #tpu.memory_space<vmem>>
      %dma_wait3A_131 = arith.constant 0 : i32
      %dma_wait3A_132 = tpu.memref_slice %arg3[%run_scoped3A_10, %dma_wait3A_131] : memref<2x320000xi32, #tpu.memory_space<hbm>> -> memref<1x320000xi32, #tpu.memory_space<hbm>>
      %dma_wait3A_133 = tpu.memref_squeeze %dma_wait3A_132 : memref<1x320000xi32, #tpu.memory_space<hbm>> -> memref<320000xi32, #tpu.memory_space<hbm>>
      %dma_wait3A_134 = tpu.memref_slice %dma_wait3A_133[%mul3A_0] : memref<320000xi32, #tpu.memory_space<hbm>> -> memref<80xi32, #tpu.memory_space<hbm>>
      %dma_wait3A_135 = arith.constant 0 : i32
      %dma_wait3A_136 = tpu.memref_slice %arg8[%run_scoped3A_11, %dma_wait3A_135] : memref<4x80xi32, #tpu.memory_space<vmem>> -> memref<1x80xi32, #tpu.memory_space<vmem>>
      %dma_wait3A_137 = tpu.memref_squeeze %dma_wait3A_136 : memref<1x80xi32, #tpu.memory_space<vmem>> -> memref<80xi32, #tpu.memory_space<vmem>>
      %dma_wait3A_138 = arith.constant 0 : i32
      %dma_wait3A_139 = tpu.memref_slice %arg3[%run_scoped3A_10, %dma_wait3A_138] : memref<2x320000xi32, #tpu.memory_space<hbm>> -> memref<1x320000xi32, #tpu.memory_space<hbm>>
      %dma_wait3A_140 = tpu.memref_squeeze %dma_wait3A_139 : memref<1x320000xi32, #tpu.memory_space<hbm>> -> memref<320000xi32, #tpu.memory_space<hbm>>
      %dma_wait3A_141 = tpu.memref_slice %dma_wait3A_140[%mul3A_0] : memref<320000xi32, #tpu.memory_space<hbm>> -> memref<80xi32, #tpu.memory_space<hbm>>
      tpu.wait_dma2 semaphore(%run_scoped3A_113 : memref<!tpu.dma_semaphore, #tpu.memory_space<semaphore_mem>>) src(%dma_wait3A_141 : memref<80xi32, #tpu.memory_space<hbm>>) dst(%dma_wait3A_137 : memref<80xi32, #tpu.memory_space<vmem>>)
      tpu.yield
    }) : () -> ()
    %add3A = arith.constant 80 : i32
    %add3A_12 = arith.addi %mul3A_0, %add3A : i32
    %dma_start3A = arith.constant 0 : i32
    %dma_start3A_13 = arith.constant 1 : i32
    %dma_start3A_14 = arith.constant 1 : i32
    %dma_start3A_15 = arith.constant 0 : i32
    %dma_start3A_16 = tpu.memref_slice %arg8[%dma_start3A_13, %dma_start3A_15] : memref<4x80xi32, #tpu.memory_space<vmem>> -> memref<1x80xi32, #tpu.memory_space<vmem>>
    %dma_start3A_17 = tpu.memref_squeeze %dma_start3A_16 : memref<1x80xi32, #tpu.memory_space<vmem>> -> memref<80xi32, #tpu.memory_space<vmem>>
    %dma_start3A_18 = arith.constant 0 : i32
    %dma_start3A_19 = tpu.memref_slice %arg3[%dma_start3A, %dma_start3A_18] : memref<2x320000xi32, #tpu.memory_space<hbm>> -> memref<1x320000xi32, #tpu.memory_space<hbm>>
    %dma_start3A_20 = tpu.memref_squeeze %dma_start3A_19 : memref<1x320000xi32, #tpu.memory_space<hbm>> -> memref<320000xi32, #tpu.memory_space<hbm>>
    %dma_start3A_21 = tpu.memref_slice %dma_start3A_20[%add3A_12] : memref<320000xi32, #tpu.memory_space<hbm>> -> memref<80xi32, #tpu.memory_space<hbm>>
    %dma_start3A_22 = tpu.memref_slice %arg10[%dma_start3A_14] : memref<4x!tpu.dma_semaphore, #tpu.memory_space<semaphore_mem>> -> memref<1x!tpu.dma_semaphore, #tpu.memory_space<semaphore_mem>>
    %dma_start3A_23 = tpu.memref_squeeze %dma_start3A_22 : memref<1x!tpu.dma_semaphore, #tpu.memory_space<semaphore_mem>> -> memref<!tpu.dma_semaphore, #tpu.memory_space<semaphore_mem>>
    %dma_start3A_24 = arith.constant 0 : i32
    %dma_start3A_25 = tpu.memref_slice %arg8[%dma_start3A_13, %dma_start3A_24] : memref<4x80xi32, #tpu.memory_space<vmem>> -> memref<1x80xi32, #tpu.memory_space<vmem>>
    %dma_start3A_26 = tpu.memref_squeeze %dma_start3A_25 : memref<1x80xi32, #tpu.memory_space<vmem>> -> memref<80xi32, #tpu.memory_space<vmem>>
    %dma_start3A_27 = arith.constant 0 : i32
    %dma_start3A_28 = tpu.memref_slice %arg3[%dma_start3A, %dma_start3A_27] : memref<2x320000xi32, #tpu.memory_space<hbm>> -> memref<1x320000xi32, #tpu.memory_space<hbm>>
    %dma_start3A_29 = tpu.memref_squeeze %dma_start3A_28 : memref<1x320000xi32, #tpu.memory_space<hbm>> -> memref<320000xi32, #tpu.memory_space<hbm>>
    %dma_start3A_30 = tpu.memref_slice %dma_start3A_29[%add3A_12] : memref<320000xi32, #tpu.memory_space<hbm>> -> memref<80xi32, #tpu.memory_space<hbm>>
    tpu.enqueue_dma source(%dma_start3A_30 : memref<80xi32, #tpu.memory_space<hbm>>) target(%dma_start3A_26 : memref<80xi32, #tpu.memory_space<vmem>>) target_semaphore(%dma_start3A_23 : memref<!tpu.dma_semaphore, #tpu.memory_space<semaphore_mem>>)
    %add3A_31 = arith.constant 160 : i32
    %add3A_32 = arith.addi %mul3A_0, %add3A_31 : i32
    %dma_start3A_33 = arith.constant 0 : i32
    %dma_start3A_34 = arith.constant 2 : i32
    %dma_start3A_35 = arith.constant 2 : i32
    %dma_start3A_36 = arith.constant 0 : i32
    %dma_start3A_37 = tpu.memref_slice %arg8[%dma_start3A_34, %dma_start3A_36] : memref<4x80xi32, #tpu.memory_space<vmem>> -> memref<1x80xi32, #tpu.memory_space<vmem>>
    %dma_start3A_38 = tpu.memref_squeeze %dma_start3A_37 : memref<1x80xi32, #tpu.memory_space<vmem>> -> memref<80xi32, #tpu.memory_space<vmem>>
    %dma_start3A_39 = arith.constant 0 : i32
    %dma_start3A_40 = tpu.memref_slice %arg3[%dma_start3A_33, %dma_start3A_39] : memref<2x320000xi32, #tpu.memory_space<hbm>> -> memref<1x320000xi32, #tpu.memory_space<hbm>>
    %dma_start3A_41 = tpu.memref_squeeze %dma_start3A_40 : memref<1x320000xi32, #tpu.memory_space<hbm>> -> memref<320000xi32, #tpu.memory_space<hbm>>
    %dma_start3A_42 = tpu.memref_slice %dma_start3A_41[%add3A_32] : memref<320000xi32, #tpu.memory_space<hbm>> -> memref<80xi32, #tpu.memory_space<hbm>>
    %dma_start3A_43 = tpu.memref_slice %arg10[%dma_start3A_35] : memref<4x!tpu.dma_semaphore, #tpu.memory_space<semaphore_mem>> -> memref<1x!tpu.dma_semaphore, #tpu.memory_space<semaphore_mem>>
    %dma_start3A_44 = tpu.memref_squeeze %dma_start3A_43 : memref<1x!tpu.dma_semaphore, #tpu.memory_space<semaphore_mem>> -> memref<!tpu.dma_semaphore, #tpu.memory_space<semaphore_mem>>
    %dma_start3A_45 = arith.constant 0 : i32
    %dma_start3A_46 = tpu.memref_slice %arg8[%dma_start3A_34, %dma_start3A_45] : memref<4x80xi32, #tpu.memory_space<vmem>> -> memref<1x80xi32, #tpu.memory_space<vmem>>
    %dma_start3A_47 = tpu.memref_squeeze %dma_start3A_46 : memref<1x80xi32, #tpu.memory_space<vmem>> -> memref<80xi32, #tpu.memory_space<vmem>>
    %dma_start3A_48 = arith.constant 0 : i32
    %dma_start3A_49 = tpu.memref_slice %arg3[%dma_start3A_33, %dma_start3A_48] : memref<2x320000xi32, #tpu.memory_space<hbm>> -> memref<1x320000xi32, #tpu.memory_space<hbm>>
    %dma_start3A_50 = tpu.memref_squeeze %dma_start3A_49 : memref<1x320000xi32, #tpu.memory_space<hbm>> -> memref<320000xi32, #tpu.memory_space<hbm>>
    %dma_start3A_51 = tpu.memref_slice %dma_start3A_50[%add3A_32] : memref<320000xi32, #tpu.memory_space<hbm>> -> memref<80xi32, #tpu.memory_space<hbm>>
    tpu.enqueue_dma source(%dma_start3A_51 : memref<80xi32, #tpu.memory_space<hbm>>) target(%dma_start3A_47 : memref<80xi32, #tpu.memory_space<vmem>>) target_semaphore(%dma_start3A_44 : memref<!tpu.dma_semaphore, #tpu.memory_space<semaphore_mem>>)
    %dma_start3A_52 = arith.constant 0 : i32
    %dma_start3A_53 = arith.constant 0 : i32
    %dma_start3A_54 = arith.constant 0 : i32
    %dma_start3A_55 = arith.constant 0 : i32
    %dma_start3A_56 = arith.constant 0 : i32
    %dma_start3A_57 = tpu.memref_slice %arg7[%dma_start3A_53, %dma_start3A_55, %dma_start3A_56] : memref<4x80x64xf32, #tpu.memory_space<vmem>> -> memref<1x80x64xf32, #tpu.memory_space<vmem>>
    %dma_start3A_58 = tpu.memref_squeeze %dma_start3A_57 : memref<1x80x64xf32, #tpu.memory_space<vmem>> -> memref<80x64xf32, #tpu.memory_space<vmem>>
    %dma_start3A_59 = arith.constant 0 : i32
    %dma_start3A_60 = tpu.memref_slice %arg8[%dma_start3A_52, %dma_start3A_59] : memref<4x80xi32, #tpu.memory_space<vmem>> -> memref<1x80xi32, #tpu.memory_space<vmem>>
    %dma_start3A_61 = tpu.memref_squeeze %dma_start3A_60 : memref<1x80xi32, #tpu.memory_space<vmem>> -> memref<80xi32, #tpu.memory_space<vmem>>
    %dma_start3A_62 = arith.constant 0 : i32
    %dma_start3A_63 = arith.constant 0 : i32
    %dma_start3A_64 = tpu.memref_slice %arg13[%dma_start3A_62, %dma_start3A_63] : memref<10112x64xf32, #tpu.memory_space<vmem_shared>> -> memref<10112x64xf32, #tpu.memory_space<vmem_shared>>
    %dma_start3A_65 = tpu.memref_slice %arg11[%dma_start3A_54] : memref<4x!tpu.dma_semaphore, #tpu.memory_space<semaphore_mem>> -> memref<1x!tpu.dma_semaphore, #tpu.memory_space<semaphore_mem>>
    %dma_start3A_66 = tpu.memref_squeeze %dma_start3A_65 : memref<1x!tpu.dma_semaphore, #tpu.memory_space<semaphore_mem>> -> memref<!tpu.dma_semaphore, #tpu.memory_space<semaphore_mem>>
    tpu.enqueue_indirect_dma source(%dma_start3A_64 : memref<10112x64xf32, #tpu.memory_space<vmem_shared>>) target(%dma_start3A_58 : memref<80x64xf32, #tpu.memory_space<vmem>>) offsets(%dma_start3A_61 : memref<80xi32, #tpu.memory_space<vmem>>) semaphore(%dma_start3A_66 : memref<!tpu.dma_semaphore, #tpu.memory_space<semaphore_mem>>)
    %add3A_67 = arith.constant 80 : i32
    %add3A_68 = arith.addi %mul3A_0, %add3A_67 : i32
    %dma_wait3A = arith.constant 0 : i32
    %dma_wait3A_69 = arith.constant 1 : i32
    %dma_wait3A_70 = arith.constant 1 : i32
    %dma_wait3A_71 = arith.constant 0 : i32
    %dma_wait3A_72 = tpu.memref_slice %arg8[%dma_wait3A_69, %dma_wait3A_71] : memref<4x80xi32, #tpu.memory_space<vmem>> -> memref<1x80xi32, #tpu.memory_space<vmem>>
    %dma_wait3A_73 = tpu.memref_squeeze %dma_wait3A_72 : memref<1x80xi32, #tpu.memory_space<vmem>> -> memref<80xi32, #tpu.memory_space<vmem>>
    %dma_wait3A_74 = arith.constant 0 : i32
    %dma_wait3A_75 = tpu.memref_slice %arg3[%dma_wait3A, %dma_wait3A_74] : memref<2x320000xi32, #tpu.memory_space<hbm>> -> memref<1x320000xi32, #tpu.memory_space<hbm>>
    %dma_wait3A_76 = tpu.memref_squeeze %dma_wait3A_75 : memref<1x320000xi32, #tpu.memory_space<hbm>> -> memref<320000xi32, #tpu.memory_space<hbm>>
    %dma_wait3A_77 = tpu.memref_slice %dma_wait3A_76[%add3A_68] : memref<320000xi32, #tpu.memory_space<hbm>> -> memref<80xi32, #tpu.memory_space<hbm>>
    %dma_wait3A_78 = tpu.memref_slice %arg10[%dma_wait3A_70] : memref<4x!tpu.dma_semaphore, #tpu.memory_space<semaphore_mem>> -> memref<1x!tpu.dma_semaphore, #tpu.memory_space<semaphore_mem>>
    %dma_wait3A_79 = tpu.memref_squeeze %dma_wait3A_78 : memref<1x!tpu.dma_semaphore, #tpu.memory_space<semaphore_mem>> -> memref<!tpu.dma_semaphore, #tpu.memory_space<semaphore_mem>>
    %dma_wait3A_80 = arith.constant 0 : i32
    %dma_wait3A_81 = tpu.memref_slice %arg8[%dma_wait3A_69, %dma_wait3A_80] : memref<4x80xi32, #tpu.memory_space<vmem>> -> memref<1x80xi32, #tpu.memory_space<vmem>>
    %dma_wait3A_82 = tpu.memref_squeeze %dma_wait3A_81 : memref<1x80xi32, #tpu.memory_space<vmem>> -> memref<80xi32, #tpu.memory_space<vmem>>
    %dma_wait3A_83 = arith.constant 0 : i32
    %dma_wait3A_84 = tpu.memref_slice %arg3[%dma_wait3A, %dma_wait3A_83] : memref<2x320000xi32, #tpu.memory_space<hbm>> -> memref<1x320000xi32, #tpu.memory_space<hbm>>
    %dma_wait3A_85 = tpu.memref_squeeze %dma_wait3A_84 : memref<1x320000xi32, #tpu.memory_space<hbm>> -> memref<320000xi32, #tpu.memory_space<hbm>>
    %dma_wait3A_86 = tpu.memref_slice %dma_wait3A_85[%add3A_68] : memref<320000xi32, #tpu.memory_space<hbm>> -> memref<80xi32, #tpu.memory_space<hbm>>
    tpu.wait_dma2 semaphore(%dma_wait3A_79 : memref<!tpu.dma_semaphore, #tpu.memory_space<semaphore_mem>>) src(%dma_wait3A_86 : memref<80xi32, #tpu.memory_space<hbm>>) dst(%dma_wait3A_82 : memref<80xi32, #tpu.memory_space<vmem>>)
    %dma_start3A_87 = arith.constant 1 : i32
    %dma_start3A_88 = arith.constant 1 : i32
    %dma_start3A_89 = arith.constant 1 : i32
    %dma_start3A_90 = arith.constant 0 : i32
    %dma_start3A_91 = arith.constant 0 : i32
    %dma_start3A_92 = tpu.memref_slice %arg7[%dma_start3A_88, %dma_start3A_90, %dma_start3A_91] : memref<4x80x64xf32, #tpu.memory_space<vmem>> -> memref<1x80x64xf32, #tpu.memory_space<vmem>>
    %dma_start3A_93 = tpu.memref_squeeze %dma_start3A_92 : memref<1x80x64xf32, #tpu.memory_space<vmem>> -> memref<80x64xf32, #tpu.memory_space<vmem>>
    %dma_start3A_94 = arith.constant 0 : i32
    %dma_start3A_95 = tpu.memref_slice %arg8[%dma_start3A_87, %dma_start3A_94] : memref<4x80xi32, #tpu.memory_space<vmem>> -> memref<1x80xi32, #tpu.memory_space<vmem>>
    %dma_start3A_96 = tpu.memref_squeeze %dma_start3A_95 : memref<1x80xi32, #tpu.memory_space<vmem>> -> memref<80xi32, #tpu.memory_space<vmem>>
    %dma_start3A_97 = arith.constant 0 : i32
    %dma_start3A_98 = arith.constant 0 : i32
    %dma_start3A_99 = tpu.memref_slice %arg13[%dma_start3A_97, %dma_start3A_98] : memref<10112x64xf32, #tpu.memory_space<vmem_shared>> -> memref<10112x64xf32, #tpu.memory_space<vmem_shared>>
    %dma_start3A_100 = tpu.memref_slice %arg11[%dma_start3A_89] : memref<4x!tpu.dma_semaphore, #tpu.memory_space<semaphore_mem>> -> memref<1x!tpu.dma_semaphore, #tpu.memory_space<semaphore_mem>>
    %dma_start3A_101 = tpu.memref_squeeze %dma_start3A_100 : memref<1x!tpu.dma_semaphore, #tpu.memory_space<semaphore_mem>> -> memref<!tpu.dma_semaphore, #tpu.memory_space<semaphore_mem>>
    tpu.enqueue_indirect_dma source(%dma_start3A_99 : memref<10112x64xf32, #tpu.memory_space<vmem_shared>>) target(%dma_start3A_93 : memref<80x64xf32, #tpu.memory_space<vmem>>) offsets(%dma_start3A_96 : memref<80xi32, #tpu.memory_space<vmem>>) semaphore(%dma_start3A_101 : memref<!tpu.dma_semaphore, #tpu.memory_space<semaphore_mem>>)
    %scan3A = arith.constant 1 : i32
    %scan3A_102 = arith.constant 0 : i32
    %scan3A_103 = arith.constant 0 : i32
    %scan3A_104 = arith.constant 0 : i32
    %scan3A_105 = arith.constant 10 : i32
    %scan3A_106 = arith.addi %scan3A_104, %scan3A_105 : i32
    %scan3A_107 = arith.constant 1 : i32
    %scan3A_108 = scf.for %scan3A_113 = %scan3A_104 to %scan3A_106 step %scan3A_107 iter_args(%scan3A_114 = %scan3A_103) -> (i32)  : i32 {
      %rem3A = arith.constant 2 : i32
      %rem3A_115 = arith.remsi %scan3A_113, %rem3A : i32
      %add3A_116 = arith.constant 1 : i32
      %add3A_117 = arith.addi %scan3A_113, %add3A_116 : i32
      %lt3A_118 = arith.constant 10 : i32
      %lt3A_119 = arith.cmpi slt, %add3A_117, %lt3A_118 : i32
      %convert_element_type3A_120 = arith.extui %lt3A_119 : i1 to i32
      %cond3A_121 = arith.constant 0 : i32
      %cond3A_122 = arith.cmpi ne, %convert_element_type3A_120, %cond3A_121 : i32
      scf.if %cond3A_122 {
        %add3A_178 = arith.constant 1 : i32
        %add3A_179 = arith.addi %scan3A_113, %add3A_178 : i32
        %mul3A_180 = arith.constant 25 : i32
        %mul3A_181 = arith.muli %add3A_179, %mul3A_180 : i32
        %mul3A_182 = arith.constant 80 : i32
        %mul3A_183 = arith.muli %mul3A_181, %mul3A_182 : i32
        %add3A_184 = arith.addi %mul3A_0, %mul3A_183 : i32
        %add3A_185 = arith.constant 1 : i32
        %add3A_186 = arith.addi %scan3A_113, %add3A_185 : i32
        %rem3A_187 = arith.constant 2 : i32
        %rem3A_188 = arith.remsi %add3A_186, %rem3A_187 : i32
        %add3A_189 = arith.constant 1 : i32
        %add3A_190 = arith.addi %scan3A_113, %add3A_189 : i32
        %rem3A_191 = arith.constant 2 : i32
        %rem3A_192 = arith.remsi %add3A_190, %rem3A_191 : i32
        %dma_start3A_193 = arith.constant 0 : i32
        %dma_start3A_194 = tpu.memref_slice %arg6[%rem3A_188, %dma_start3A_193] : memref<2x2000xi32, #tpu.memory_space<vmem>> -> memref<1x2000xi32, #tpu.memory_space<vmem>>
        %dma_start3A_195 = tpu.memref_squeeze %dma_start3A_194 : memref<1x2000xi32, #tpu.memory_space<vmem>> -> memref<2000xi32, #tpu.memory_space<vmem>>
        %dma_start3A_196 = arith.constant 0 : i32
        %dma_start3A_197 = tpu.memref_slice %arg3[%scan3A, %dma_start3A_196] : memref<2x320000xi32, #tpu.memory_space<hbm>> -> memref<1x320000xi32, #tpu.memory_space<hbm>>
        %dma_start3A_198 = tpu.memref_squeeze %dma_start3A_197 : memref<1x320000xi32, #tpu.memory_space<hbm>> -> memref<320000xi32, #tpu.memory_space<hbm>>
        %dma_start3A_199 = tpu.memref_slice %dma_start3A_198[%add3A_184] : memref<320000xi32, #tpu.memory_space<hbm>> -> memref<2000xi32, #tpu.memory_space<hbm>>
        %dma_start3A_200 = tpu.memref_slice %arg9[%rem3A_192] : memref<2x!tpu.dma_semaphore, #tpu.memory_space<semaphore_mem>> -> memref<1x!tpu.dma_semaphore, #tpu.memory_space<semaphore_mem>>
        %dma_start3A_201 = tpu.memref_squeeze %dma_start3A_200 : memref<1x!tpu.dma_semaphore, #tpu.memory_space<semaphore_mem>> -> memref<!tpu.dma_semaphore, #tpu.memory_space<semaphore_mem>>
        %dma_start3A_202 = arith.constant 0 : i32
        %dma_start3A_203 = tpu.memref_slice %arg6[%rem3A_188, %dma_start3A_202] : memref<2x2000xi32, #tpu.memory_space<vmem>> -> memref<1x2000xi32, #tpu.memory_space<vmem>>
        %dma_start3A_204 = tpu.memref_squeeze %dma_start3A_203 : memref<1x2000xi32, #tpu.memory_space<vmem>> -> memref<2000xi32, #tpu.memory_space<vmem>>
        %dma_start3A_205 = arith.constant 0 : i32
        %dma_start3A_206 = tpu.memref_slice %arg3[%scan3A, %dma_start3A_205] : memref<2x320000xi32, #tpu.memory_space<hbm>> -> memref<1x320000xi32, #tpu.memory_space<hbm>>
        %dma_start3A_207 = tpu.memref_squeeze %dma_start3A_206 : memref<1x320000xi32, #tpu.memory_space<hbm>> -> memref<320000xi32, #tpu.memory_space<hbm>>
        %dma_start3A_208 = tpu.memref_slice %dma_start3A_207[%add3A_184] : memref<320000xi32, #tpu.memory_space<hbm>> -> memref<2000xi32, #tpu.memory_space<hbm>>
        tpu.enqueue_dma source(%dma_start3A_208 : memref<2000xi32, #tpu.memory_space<hbm>>) target(%dma_start3A_204 : memref<2000xi32, #tpu.memory_space<vmem>>) target_semaphore(%dma_start3A_201 : memref<!tpu.dma_semaphore, #tpu.memory_space<semaphore_mem>>)
      } else {
      }
      %gt3A = arith.constant 0 : i32
      %gt3A_123 = arith.cmpi sgt, %scan3A_113, %gt3A : i32
      %convert_element_type3A_124 = arith.extui %gt3A_123 : i1 to i32
      %cond3A_125 = arith.constant 0 : i32
      %cond3A_126 = arith.cmpi ne, %convert_element_type3A_124, %cond3A_125 : i32
      scf.if %cond3A_126 {
        %mul3A_178 = arith.constant 25 : i32
        %mul3A_179 = arith.muli %scan3A_113, %mul3A_178 : i32
        %mul3A_180 = arith.constant 80 : i32
        %mul3A_181 = arith.muli %mul3A_179, %mul3A_180 : i32
        %add3A_182 = arith.addi %mul3A_0, %mul3A_181 : i32
        %dma_wait3A_183 = arith.constant 0 : i32
        %dma_wait3A_184 = tpu.memref_slice %arg6[%rem3A_115, %dma_wait3A_183] : memref<2x2000xi32, #tpu.memory_space<vmem>> -> memref<1x2000xi32, #tpu.memory_space<vmem>>
        %dma_wait3A_185 = tpu.memref_squeeze %dma_wait3A_184 : memref<1x2000xi32, #tpu.memory_space<vmem>> -> memref<2000xi32, #tpu.memory_space<vmem>>
        %dma_wait3A_186 = arith.constant 0 : i32
        %dma_wait3A_187 = tpu.memref_slice %arg3[%scan3A, %dma_wait3A_186] : memref<2x320000xi32, #tpu.memory_space<hbm>> -> memref<1x320000xi32, #tpu.memory_space<hbm>>
        %dma_wait3A_188 = tpu.memref_squeeze %dma_wait3A_187 : memref<1x320000xi32, #tpu.memory_space<hbm>> -> memref<320000xi32, #tpu.memory_space<hbm>>
        %dma_wait3A_189 = tpu.memref_slice %dma_wait3A_188[%add3A_182] : memref<320000xi32, #tpu.memory_space<hbm>> -> memref<2000xi32, #tpu.memory_space<hbm>>
        %dma_wait3A_190 = tpu.memref_slice %arg9[%rem3A_115] : memref<2x!tpu.dma_semaphore, #tpu.memory_space<semaphore_mem>> -> memref<1x!tpu.dma_semaphore, #tpu.memory_space<semaphore_mem>>
        %dma_wait3A_191 = tpu.memref_squeeze %dma_wait3A_190 : memref<1x!tpu.dma_semaphore, #tpu.memory_space<semaphore_mem>> -> memref<!tpu.dma_semaphore, #tpu.memory_space<semaphore_mem>>
        %dma_wait3A_192 = arith.constant 0 : i32
        %dma_wait3A_193 = tpu.memref_slice %arg6[%rem3A_115, %dma_wait3A_192] : memref<2x2000xi32, #tpu.memory_space<vmem>> -> memref<1x2000xi32, #tpu.memory_space<vmem>>
        %dma_wait3A_194 = tpu.memref_squeeze %dma_wait3A_193 : memref<1x2000xi32, #tpu.memory_space<vmem>> -> memref<2000xi32, #tpu.memory_space<vmem>>
        %dma_wait3A_195 = arith.constant 0 : i32
        %dma_wait3A_196 = tpu.memref_slice %arg3[%scan3A, %dma_wait3A_195] : memref<2x320000xi32, #tpu.memory_space<hbm>> -> memref<1x320000xi32, #tpu.memory_space<hbm>>
        %dma_wait3A_197 = tpu.memref_squeeze %dma_wait3A_196 : memref<1x320000xi32, #tpu.memory_space<hbm>> -> memref<320000xi32, #tpu.memory_space<hbm>>
        %dma_wait3A_198 = tpu.memref_slice %dma_wait3A_197[%add3A_182] : memref<320000xi32, #tpu.memory_space<hbm>> -> memref<2000xi32, #tpu.memory_space<hbm>>
        tpu.wait_dma2 semaphore(%dma_wait3A_191 : memref<!tpu.dma_semaphore, #tpu.memory_space<semaphore_mem>>) src(%dma_wait3A_198 : memref<2000xi32, #tpu.memory_space<hbm>>) dst(%dma_wait3A_194 : memref<2000xi32, #tpu.memory_space<vmem>>)
      } else {
      }
      %scan3A_127 = arith.constant 0 : i32
      %scan3A_128 = arith.constant 0 : i32
      %scan3A_129 = arith.constant 25 : i32
      %scan3A_130 = arith.addi %scan3A_128, %scan3A_129 : i32
      %scan3A_131 = arith.constant 1 : i32
      %scan3A_132 = scf.for %scan3A_178 = %scan3A_128 to %scan3A_130 step %scan3A_131 iter_args(%scan3A_179 = %scan3A_127) -> (i32)  : i32 {
        %mul3A_180 = arith.constant 25 : i32
        %mul3A_181 = arith.muli %scan3A_113, %mul3A_180 : i32
        %add3A_182 = arith.addi %mul3A_181, %scan3A_178 : i32
        %rem3A_183 = arith.constant 4 : i32
        %rem3A_184 = arith.remsi %add3A_182, %rem3A_183 : i32
        %dma_wait3A_185 = arith.constant 0 : i32
        %dma_wait3A_186 = arith.constant 0 : i32
        %dma_wait3A_187 = tpu.memref_slice %arg7[%rem3A_184, %dma_wait3A_185, %dma_wait3A_186] : memref<4x80x64xf32, #tpu.memory_space<vmem>> -> memref<1x80x64xf32, #tpu.memory_space<vmem>>
        %dma_wait3A_188 = tpu.memref_squeeze %dma_wait3A_187 : memref<1x80x64xf32, #tpu.memory_space<vmem>> -> memref<80x64xf32, #tpu.memory_space<vmem>>
        %dma_wait3A_189 = arith.constant 0 : i32
        %dma_wait3A_190 = tpu.memref_slice %arg8[%rem3A_184, %dma_wait3A_189] : memref<4x80xi32, #tpu.memory_space<vmem>> -> memref<1x80xi32, #tpu.memory_space<vmem>>
        %dma_wait3A_191 = tpu.memref_squeeze %dma_wait3A_190 : memref<1x80xi32, #tpu.memory_space<vmem>> -> memref<80xi32, #tpu.memory_space<vmem>>
        %dma_wait3A_192 = arith.constant 0 : i32
        %dma_wait3A_193 = arith.constant 0 : i32
        %dma_wait3A_194 = tpu.memref_slice %arg13[%dma_wait3A_192, %dma_wait3A_193] : memref<10112x64xf32, #tpu.memory_space<vmem_shared>> -> memref<10112x64xf32, #tpu.memory_space<vmem_shared>>
        %dma_wait3A_195 = tpu.memref_slice %arg11[%rem3A_184] : memref<4x!tpu.dma_semaphore, #tpu.memory_space<semaphore_mem>> -> memref<1x!tpu.dma_semaphore, #tpu.memory_space<semaphore_mem>>
        %dma_wait3A_196 = tpu.memref_squeeze %dma_wait3A_195 : memref<1x!tpu.dma_semaphore, #tpu.memory_space<semaphore_mem>> -> memref<!tpu.dma_semaphore, #tpu.memory_space<semaphore_mem>>
        tpu.wait_indirect_dma semaphore(%dma_wait3A_196 : memref<!tpu.dma_semaphore, #tpu.memory_space<semaphore_mem>>) src(%dma_wait3A_194 : memref<10112x64xf32, #tpu.memory_space<vmem_shared>>) dst(%dma_wait3A_188 : memref<80x64xf32, #tpu.memory_space<vmem>>)
        %mul3A_197 = arith.constant 80 : i32
        %mul3A_198 = arith.muli %scan3A_178, %mul3A_197 : i32
        %dma_start3A_199 = arith.constant 0 : i32
        %dma_start3A_200 = arith.constant 0 : i32
        %dma_start3A_201 = tpu.memref_slice %arg7[%rem3A_184, %dma_start3A_199, %dma_start3A_200] : memref<4x80x64xf32, #tpu.memory_space<vmem>> -> memref<1x80x64xf32, #tpu.memory_space<vmem>>
        %dma_start3A_202 = tpu.memref_squeeze %dma_start3A_201 : memref<1x80x64xf32, #tpu.memory_space<vmem>> -> memref<80x64xf32, #tpu.memory_space<vmem>>
        %dma_start3A_203 = arith.constant 0 : i32
        %dma_start3A_204 = tpu.memref_slice %arg6[%rem3A_115, %dma_start3A_203] : memref<2x2000xi32, #tpu.memory_space<vmem>> -> memref<1x2000xi32, #tpu.memory_space<vmem>>
        %dma_start3A_205 = tpu.memref_squeeze %dma_start3A_204 : memref<1x2000xi32, #tpu.memory_space<vmem>> -> memref<2000xi32, #tpu.memory_space<vmem>>
        %dma_start3A_206 = tpu.memref_slice %dma_start3A_205[%mul3A_198] : memref<2000xi32, #tpu.memory_space<vmem>> -> memref<80xi32, #tpu.memory_space<vmem>>
        %dma_start3A_207 = arith.constant 0 : i32
        %dma_start3A_208 = arith.constant 0 : i32
        %dma_start3A_209 = tpu.memref_slice %arg5[%dma_start3A_207, %dma_start3A_208] : memref<10112x64xf32, #tpu.memory_space<vmem_shared>> -> memref<10112x64xf32, #tpu.memory_space<vmem_shared>>
        %dma_start3A_210 = tpu.memref_slice %arg12[%rem3A_184] : memref<4x!tpu.dma_semaphore, #tpu.memory_space<semaphore_mem>> -> memref<1x!tpu.dma_semaphore, #tpu.memory_space<semaphore_mem>>
        %dma_start3A_211 = tpu.memref_squeeze %dma_start3A_210 : memref<1x!tpu.dma_semaphore, #tpu.memory_space<semaphore_mem>> -> memref<!tpu.dma_semaphore, #tpu.memory_space<semaphore_mem>>
        tpu.enqueue_indirect_dma source(%dma_start3A_202 : memref<80x64xf32, #tpu.memory_space<vmem>>) target(%dma_start3A_209 : memref<10112x64xf32, #tpu.memory_space<vmem_shared>>) offsets(%dma_start3A_206 : memref<80xi32, #tpu.memory_space<vmem>>) semaphore(%dma_start3A_211 : memref<!tpu.dma_semaphore, #tpu.memory_space<semaphore_mem>>) {add = true}
        %ge3A = arith.constant 2 : i32
        %ge3A_212 = arith.cmpi sge, %scan3A_178, %ge3A : i32
        %convert_element_type3A_213 = arith.extui %ge3A_212 : i1 to i32
        %cond3A_214 = arith.constant 0 : i32
        %cond3A_215 = arith.cmpi ne, %convert_element_type3A_213, %cond3A_214 : i32
        scf.if %cond3A_215 {
          %sub3A_231 = arith.constant 2 : i32
          %sub3A_232 = arith.subi %scan3A_178, %sub3A_231 : i32
          %add3A_233 = arith.constant 2 : i32
          %add3A_234 = arith.addi %add3A_182, %add3A_233 : i32
          %rem3A_235 = arith.constant 4 : i32
          %rem3A_236 = arith.remsi %add3A_234, %rem3A_235 : i32
          %mul3A_237 = arith.constant 80 : i32
          %mul3A_238 = arith.muli %sub3A_232, %mul3A_237 : i32
          %dma_wait3A_239 = arith.constant 0 : i32
          %dma_wait3A_240 = arith.constant 0 : i32
          %dma_wait3A_241 = tpu.memref_slice %arg7[%rem3A_236, %dma_wait3A_239, %dma_wait3A_240] : memref<4x80x64xf32, #tpu.memory_space<vmem>> -> memref<1x80x64xf32, #tpu.memory_space<vmem>>
          %dma_wait3A_242 = tpu.memref_squeeze %dma_wait3A_241 : memref<1x80x64xf32, #tpu.memory_space<vmem>> -> memref<80x64xf32, #tpu.memory_space<vmem>>
          %dma_wait3A_243 = arith.constant 0 : i32
          %dma_wait3A_244 = tpu.memref_slice %arg6[%rem3A_115, %dma_wait3A_243] : memref<2x2000xi32, #tpu.memory_space<vmem>> -> memref<1x2000xi32, #tpu.memory_space<vmem>>
          %dma_wait3A_245 = tpu.memref_squeeze %dma_wait3A_244 : memref<1x2000xi32, #tpu.memory_space<vmem>> -> memref<2000xi32, #tpu.memory_space<vmem>>
          %dma_wait3A_246 = tpu.memref_slice %dma_wait3A_245[%mul3A_238] : memref<2000xi32, #tpu.memory_space<vmem>> -> memref<80xi32, #tpu.memory_space<vmem>>
          %dma_wait3A_247 = arith.constant 0 : i32
          %dma_wait3A_248 = arith.constant 0 : i32
          %dma_wait3A_249 = tpu.memref_slice %arg5[%dma_wait3A_247, %dma_wait3A_248] : memref<10112x64xf32, #tpu.memory_space<vmem_shared>> -> memref<10112x64xf32, #tpu.memory_space<vmem_shared>>
          %dma_wait3A_250 = tpu.memref_slice %arg12[%rem3A_236] : memref<4x!tpu.dma_semaphore, #tpu.memory_space<semaphore_mem>> -> memref<1x!tpu.dma_semaphore, #tpu.memory_space<semaphore_mem>>
          %dma_wait3A_251 = tpu.memref_squeeze %dma_wait3A_250 : memref<1x!tpu.dma_semaphore, #tpu.memory_space<semaphore_mem>> -> memref<!tpu.dma_semaphore, #tpu.memory_space<semaphore_mem>>
          tpu.wait_indirect_dma semaphore(%dma_wait3A_251 : memref<!tpu.dma_semaphore, #tpu.memory_space<semaphore_mem>>) src(%dma_wait3A_242 : memref<80x64xf32, #tpu.memory_space<vmem>>) dst(%dma_wait3A_249 : memref<10112x64xf32, #tpu.memory_space<vmem_shared>>)
        } else {
        }
        %add3A_216 = arith.constant 2 : i32
        %add3A_217 = arith.addi %add3A_182, %add3A_216 : i32
        %lt3A_218 = arith.constant 250 : i32
        %lt3A_219 = arith.cmpi slt, %add3A_217, %lt3A_218 : i32
        %convert_element_type3A_220 = arith.extui %lt3A_219 : i1 to i32
        %cond3A_221 = arith.constant 0 : i32
        %cond3A_222 = arith.cmpi ne, %convert_element_type3A_220, %cond3A_221 : i32
        scf.if %cond3A_222 {
          %add3A_231 = arith.constant 2 : i32
          %add3A_232 = arith.addi %add3A_182, %add3A_231 : i32
          %add3A_233 = arith.constant 2 : i32
          %add3A_234 = arith.addi %add3A_182, %add3A_233 : i32
          %rem3A_235 = arith.constant 4 : i32
          %rem3A_236 = arith.remsi %add3A_234, %rem3A_235 : i32
          %mul3A_237 = arith.constant 80 : i32
          %mul3A_238 = arith.muli %add3A_232, %mul3A_237 : i32
          %add3A_239 = arith.addi %mul3A_0, %mul3A_238 : i32
          %dma_wait3A_240 = arith.constant 0 : i32
          %dma_wait3A_241 = tpu.memref_slice %arg8[%rem3A_236, %dma_wait3A_240] : memref<4x80xi32, #tpu.memory_space<vmem>> -> memref<1x80xi32, #tpu.memory_space<vmem>>
          %dma_wait3A_242 = tpu.memref_squeeze %dma_wait3A_241 : memref<1x80xi32, #tpu.memory_space<vmem>> -> memref<80xi32, #tpu.memory_space<vmem>>
          %dma_wait3A_243 = arith.constant 0 : i32
          %dma_wait3A_244 = tpu.memref_slice %arg3[%scan3A_102, %dma_wait3A_243] : memref<2x320000xi32, #tpu.memory_space<hbm>> -> memref<1x320000xi32, #tpu.memory_space<hbm>>
          %dma_wait3A_245 = tpu.memref_squeeze %dma_wait3A_244 : memref<1x320000xi32, #tpu.memory_space<hbm>> -> memref<320000xi32, #tpu.memory_space<hbm>>
          %dma_wait3A_246 = tpu.memref_slice %dma_wait3A_245[%add3A_239] : memref<320000xi32, #tpu.memory_space<hbm>> -> memref<80xi32, #tpu.memory_space<hbm>>
          %dma_wait3A_247 = tpu.memref_slice %arg10[%rem3A_236] : memref<4x!tpu.dma_semaphore, #tpu.memory_space<semaphore_mem>> -> memref<1x!tpu.dma_semaphore, #tpu.memory_space<semaphore_mem>>
          %dma_wait3A_248 = tpu.memref_squeeze %dma_wait3A_247 : memref<1x!tpu.dma_semaphore, #tpu.memory_space<semaphore_mem>> -> memref<!tpu.dma_semaphore, #tpu.memory_space<semaphore_mem>>
          %dma_wait3A_249 = arith.constant 0 : i32
          %dma_wait3A_250 = tpu.memref_slice %arg8[%rem3A_236, %dma_wait3A_249] : memref<4x80xi32, #tpu.memory_space<vmem>> -> memref<1x80xi32, #tpu.memory_space<vmem>>
          %dma_wait3A_251 = tpu.memref_squeeze %dma_wait3A_250 : memref<1x80xi32, #tpu.memory_space<vmem>> -> memref<80xi32, #tpu.memory_space<vmem>>
          %dma_wait3A_252 = arith.constant 0 : i32
          %dma_wait3A_253 = tpu.memref_slice %arg3[%scan3A_102, %dma_wait3A_252] : memref<2x320000xi32, #tpu.memory_space<hbm>> -> memref<1x320000xi32, #tpu.memory_space<hbm>>
          %dma_wait3A_254 = tpu.memref_squeeze %dma_wait3A_253 : memref<1x320000xi32, #tpu.memory_space<hbm>> -> memref<320000xi32, #tpu.memory_space<hbm>>
          %dma_wait3A_255 = tpu.memref_slice %dma_wait3A_254[%add3A_239] : memref<320000xi32, #tpu.memory_space<hbm>> -> memref<80xi32, #tpu.memory_space<hbm>>
          tpu.wait_dma2 semaphore(%dma_wait3A_248 : memref<!tpu.dma_semaphore, #tpu.memory_space<semaphore_mem>>) src(%dma_wait3A_255 : memref<80xi32, #tpu.memory_space<hbm>>) dst(%dma_wait3A_251 : memref<80xi32, #tpu.memory_space<vmem>>)
          %add3A_256 = arith.constant 2 : i32
          %add3A_257 = arith.addi %add3A_182, %add3A_256 : i32
          %add3A_258 = arith.constant 2 : i32
          %add3A_259 = arith.addi %add3A_182, %add3A_258 : i32
          %rem3A_260 = arith.constant 4 : i32
          %rem3A_261 = arith.remsi %add3A_259, %rem3A_260 : i32
          %dma_start3A_262 = arith.constant 0 : i32
          %dma_start3A_263 = arith.constant 0 : i32
          %dma_start3A_264 = tpu.memref_slice %arg7[%rem3A_261, %dma_start3A_262, %dma_start3A_263] : memref<4x80x64xf32, #tpu.memory_space<vmem>> -> memref<1x80x64xf32, #tpu.memory_space<vmem>>
          %dma_start3A_265 = tpu.memref_squeeze %dma_start3A_264 : memref<1x80x64xf32, #tpu.memory_space<vmem>> -> memref<80x64xf32, #tpu.memory_space<vmem>>
          %dma_start3A_266 = arith.constant 0 : i32
          %dma_start3A_267 = tpu.memref_slice %arg8[%rem3A_261, %dma_start3A_266] : memref<4x80xi32, #tpu.memory_space<vmem>> -> memref<1x80xi32, #tpu.memory_space<vmem>>
          %dma_start3A_268 = tpu.memref_squeeze %dma_start3A_267 : memref<1x80xi32, #tpu.memory_space<vmem>> -> memref<80xi32, #tpu.memory_space<vmem>>
          %dma_start3A_269 = arith.constant 0 : i32
          %dma_start3A_270 = arith.constant 0 : i32
          %dma_start3A_271 = tpu.memref_slice %arg13[%dma_start3A_269, %dma_start3A_270] : memref<10112x64xf32, #tpu.memory_space<vmem_shared>> -> memref<10112x64xf32, #tpu.memory_space<vmem_shared>>
          %dma_start3A_272 = tpu.memref_slice %arg11[%rem3A_261] : memref<4x!tpu.dma_semaphore, #tpu.memory_space<semaphore_mem>> -> memref<1x!tpu.dma_semaphore, #tpu.memory_space<semaphore_mem>>
          %dma_start3A_273 = tpu.memref_squeeze %dma_start3A_272 : memref<1x!tpu.dma_semaphore, #tpu.memory_space<semaphore_mem>> -> memref<!tpu.dma_semaphore, #tpu.memory_space<semaphore_mem>>
          tpu.enqueue_indirect_dma source(%dma_start3A_271 : memref<10112x64xf32, #tpu.memory_space<vmem_shared>>) target(%dma_start3A_265 : memref<80x64xf32, #tpu.memory_space<vmem>>) offsets(%dma_start3A_268 : memref<80xi32, #tpu.memory_space<vmem>>) semaphore(%dma_start3A_273 : memref<!tpu.dma_semaphore, #tpu.memory_space<semaphore_mem>>)
        } else {
        }
        %add3A_223 = arith.constant 3 : i32
        %add3A_224 = arith.addi %add3A_182, %add3A_223 : i32
        %lt3A_225 = arith.constant 250 : i32
        %lt3A_226 = arith.cmpi slt, %add3A_224, %lt3A_225 : i32
        %convert_element_type3A_227 = arith.extui %lt3A_226 : i1 to i32
        %cond3A_228 = arith.constant 0 : i32
        %cond3A_229 = arith.cmpi ne, %convert_element_type3A_227, %cond3A_228 : i32
        scf.if %cond3A_229 {
          %add3A_231 = arith.constant 3 : i32
          %add3A_232 = arith.addi %add3A_182, %add3A_231 : i32
          %add3A_233 = arith.constant 3 : i32
          %add3A_234 = arith.addi %add3A_182, %add3A_233 : i32
          %rem3A_235 = arith.constant 4 : i32
          %rem3A_236 = arith.remsi %add3A_234, %rem3A_235 : i32
          %mul3A_237 = arith.constant 80 : i32
          %mul3A_238 = arith.muli %add3A_232, %mul3A_237 : i32
          %add3A_239 = arith.addi %mul3A_0, %mul3A_238 : i32
          %dma_start3A_240 = arith.constant 0 : i32
          %dma_start3A_241 = tpu.memref_slice %arg8[%rem3A_236, %dma_start3A_240] : memref<4x80xi32, #tpu.memory_space<vmem>> -> memref<1x80xi32, #tpu.memory_space<vmem>>
          %dma_start3A_242 = tpu.memref_squeeze %dma_start3A_241 : memref<1x80xi32, #tpu.memory_space<vmem>> -> memref<80xi32, #tpu.memory_space<vmem>>
          %dma_start3A_243 = arith.constant 0 : i32
          %dma_start3A_244 = tpu.memref_slice %arg3[%scan3A_102, %dma_start3A_243] : memref<2x320000xi32, #tpu.memory_space<hbm>> -> memref<1x320000xi32, #tpu.memory_space<hbm>>
          %dma_start3A_245 = tpu.memref_squeeze %dma_start3A_244 : memref<1x320000xi32, #tpu.memory_space<hbm>> -> memref<320000xi32, #tpu.memory_space<hbm>>
          %dma_start3A_246 = tpu.memref_slice %dma_start3A_245[%add3A_239] : memref<320000xi32, #tpu.memory_space<hbm>> -> memref<80xi32, #tpu.memory_space<hbm>>
          %dma_start3A_247 = tpu.memref_slice %arg10[%rem3A_236] : memref<4x!tpu.dma_semaphore, #tpu.memory_space<semaphore_mem>> -> memref<1x!tpu.dma_semaphore, #tpu.memory_space<semaphore_mem>>
          %dma_start3A_248 = tpu.memref_squeeze %dma_start3A_247 : memref<1x!tpu.dma_semaphore, #tpu.memory_space<semaphore_mem>> -> memref<!tpu.dma_semaphore, #tpu.memory_space<semaphore_mem>>
          %dma_start3A_249 = arith.constant 0 : i32
          %dma_start3A_250 = tpu.memref_slice %arg8[%rem3A_236, %dma_start3A_249] : memref<4x80xi32, #tpu.memory_space<vmem>> -> memref<1x80xi32, #tpu.memory_space<vmem>>
          %dma_start3A_251 = tpu.memref_squeeze %dma_start3A_250 : memref<1x80xi32, #tpu.memory_space<vmem>> -> memref<80xi32, #tpu.memory_space<vmem>>
          %dma_start3A_252 = arith.constant 0 : i32
          %dma_start3A_253 = tpu.memref_slice %arg3[%scan3A_102, %dma_start3A_252] : memref<2x320000xi32, #tpu.memory_space<hbm>> -> memref<1x320000xi32, #tpu.memory_space<hbm>>
          %dma_start3A_254 = tpu.memref_squeeze %dma_start3A_253 : memref<1x320000xi32, #tpu.memory_space<hbm>> -> memref<320000xi32, #tpu.memory_space<hbm>>
          %dma_start3A_255 = tpu.memref_slice %dma_start3A_254[%add3A_239] : memref<320000xi32, #tpu.memory_space<hbm>> -> memref<80xi32, #tpu.memory_space<hbm>>
          tpu.enqueue_dma source(%dma_start3A_255 : memref<80xi32, #tpu.memory_space<hbm>>) target(%dma_start3A_251 : memref<80xi32, #tpu.memory_space<vmem>>) target_semaphore(%dma_start3A_248 : memref<!tpu.dma_semaphore, #tpu.memory_space<semaphore_mem>>)
        } else {
        }
        %scan3A_230 = arith.constant 0 : i32
        scf.yield %scan3A_230 : i32
      }
      %scan3A_133 = arith.constant 25 : i32
      %mul3A_134 = arith.constant 25 : i32
      %mul3A_135 = arith.muli %scan3A_113, %mul3A_134 : i32
      %add3A_136 = arith.constant 25 : i32
      %add3A_137 = arith.addi %mul3A_135, %add3A_136 : i32
      %sub3A = arith.constant 2 : i32
      %sub3A_138 = arith.subi %add3A_137, %sub3A : i32
      %rem3A_139 = arith.constant 4 : i32
      %rem3A_140 = arith.remsi %sub3A_138, %rem3A_139 : i32
      %dma_wait3A_141 = arith.constant 0 : i32
      %dma_wait3A_142 = arith.constant 0 : i32
      %dma_wait3A_143 = tpu.memref_slice %arg7[%rem3A_140, %dma_wait3A_141, %dma_wait3A_142] : memref<4x80x64xf32, #tpu.memory_space<vmem>> -> memref<1x80x64xf32, #tpu.memory_space<vmem>>
      %dma_wait3A_144 = tpu.memref_squeeze %dma_wait3A_143 : memref<1x80x64xf32, #tpu.memory_space<vmem>> -> memref<80x64xf32, #tpu.memory_space<vmem>>
      %dma_wait3A_145 = arith.constant 0 : i32
      %dma_wait3A_146 = tpu.memref_slice %arg6[%rem3A_115, %dma_wait3A_145] : memref<2x2000xi32, #tpu.memory_space<vmem>> -> memref<1x2000xi32, #tpu.memory_space<vmem>>
      %dma_wait3A_147 = tpu.memref_squeeze %dma_wait3A_146 : memref<1x2000xi32, #tpu.memory_space<vmem>> -> memref<2000xi32, #tpu.memory_space<vmem>>
      %dma_wait3A_148 = arith.constant 1840 : i32
      %dma_wait3A_149 = tpu.memref_slice %dma_wait3A_147[%dma_wait3A_148] : memref<2000xi32, #tpu.memory_space<vmem>> -> memref<80xi32, #tpu.memory_space<vmem>>
      %dma_wait3A_150 = arith.constant 0 : i32
      %dma_wait3A_151 = arith.constant 0 : i32
      %dma_wait3A_152 = tpu.memref_slice %arg5[%dma_wait3A_150, %dma_wait3A_151] : memref<10112x64xf32, #tpu.memory_space<vmem_shared>> -> memref<10112x64xf32, #tpu.memory_space<vmem_shared>>
      %dma_wait3A_153 = tpu.memref_slice %arg12[%rem3A_140] : memref<4x!tpu.dma_semaphore, #tpu.memory_space<semaphore_mem>> -> memref<1x!tpu.dma_semaphore, #tpu.memory_space<semaphore_mem>>
      %dma_wait3A_154 = tpu.memref_squeeze %dma_wait3A_153 : memref<1x!tpu.dma_semaphore, #tpu.memory_space<semaphore_mem>> -> memref<!tpu.dma_semaphore, #tpu.memory_space<semaphore_mem>>
      tpu.wait_indirect_dma semaphore(%dma_wait3A_154 : memref<!tpu.dma_semaphore, #tpu.memory_space<semaphore_mem>>) src(%dma_wait3A_144 : memref<80x64xf32, #tpu.memory_space<vmem>>) dst(%dma_wait3A_152 : memref<10112x64xf32, #tpu.memory_space<vmem_shared>>)
      %mul3A_155 = arith.constant 25 : i32
      %mul3A_156 = arith.muli %scan3A_113, %mul3A_155 : i32
      %add3A_157 = arith.constant 25 : i32
      %add3A_158 = arith.addi %mul3A_156, %add3A_157 : i32
      %sub3A_159 = arith.constant 1 : i32
      %sub3A_160 = arith.subi %add3A_158, %sub3A_159 : i32
      %rem3A_161 = arith.constant 4 : i32
      %rem3A_162 = arith.remsi %sub3A_160, %rem3A_161 : i32
      %dma_wait3A_163 = arith.constant 0 : i32
      %dma_wait3A_164 = arith.constant 0 : i32
      %dma_wait3A_165 = tpu.memref_slice %arg7[%rem3A_162, %dma_wait3A_163, %dma_wait3A_164] : memref<4x80x64xf32, #tpu.memory_space<vmem>> -> memref<1x80x64xf32, #tpu.memory_space<vmem>>
      %dma_wait3A_166 = tpu.memref_squeeze %dma_wait3A_165 : memref<1x80x64xf32, #tpu.memory_space<vmem>> -> memref<80x64xf32, #tpu.memory_space<vmem>>
      %dma_wait3A_167 = arith.constant 0 : i32
      %dma_wait3A_168 = tpu.memref_slice %arg6[%rem3A_115, %dma_wait3A_167] : memref<2x2000xi32, #tpu.memory_space<vmem>> -> memref<1x2000xi32, #tpu.memory_space<vmem>>
      %dma_wait3A_169 = tpu.memref_squeeze %dma_wait3A_168 : memref<1x2000xi32, #tpu.memory_space<vmem>> -> memref<2000xi32, #tpu.memory_space<vmem>>
      %dma_wait3A_170 = arith.constant 1920 : i32
      %dma_wait3A_171 = tpu.memref_slice %dma_wait3A_169[%dma_wait3A_170] : memref<2000xi32, #tpu.memory_space<vmem>> -> memref<80xi32, #tpu.memory_space<vmem>>
      %dma_wait3A_172 = arith.constant 0 : i32
      %dma_wait3A_173 = arith.constant 0 : i32
      %dma_wait3A_174 = tpu.memref_slice %arg5[%dma_wait3A_172, %dma_wait3A_173] : memref<10112x64xf32, #tpu.memory_space<vmem_shared>> -> memref<10112x64xf32, #tpu.memory_space<vmem_shared>>
      %dma_wait3A_175 = tpu.memref_slice %arg12[%rem3A_162] : memref<4x!tpu.dma_semaphore, #tpu.memory_space<semaphore_mem>> -> memref<1x!tpu.dma_semaphore, #tpu.memory_space<semaphore_mem>>
      %dma_wait3A_176 = tpu.memref_squeeze %dma_wait3A_175 : memref<1x!tpu.dma_semaphore, #tpu.memory_space<semaphore_mem>> -> memref<!tpu.dma_semaphore, #tpu.memory_space<semaphore_mem>>
      tpu.wait_indirect_dma semaphore(%dma_wait3A_176 : memref<!tpu.dma_semaphore, #tpu.memory_space<semaphore_mem>>) src(%dma_wait3A_166 : memref<80x64xf32, #tpu.memory_space<vmem>>) dst(%dma_wait3A_174 : memref<10112x64xf32, #tpu.memory_space<vmem_shared>>)
      %scan3A_177 = arith.constant 0 : i32
      scf.yield %scan3A_177 : i32
    }
    %scan3A_109 = arith.constant 10 : i32
    %barrier3A_110 = arith.constant 0 : index
    tpu.barrier barrier_id(%barrier3A_110)
    %mul3A_111 = arith.constant 632 : i32
    %mul3A_112 = arith.muli %arg1, %mul3A_111 : i32
    "tpu.region"() ({
      %run_scoped3A_113 = tpu.sem_alloc : memref<!tpu.dma_semaphore, #tpu.memory_space<semaphore_mem>>
      %dma_start3A_114 = arith.constant 0 : i32
      %dma_start3A_115 = arith.constant 0 : i32
      %dma_start3A_116 = tpu.memref_slice %arg4[%arg0, %dma_start3A_114, %dma_start3A_115] : memref<2x10112x64xf32, #tpu.memory_space<hbm>> -> memref<1x10112x64xf32, #tpu.memory_space<hbm>>
      %dma_start3A_117 = tpu.memref_squeeze %dma_start3A_116 : memref<1x10112x64xf32, #tpu.memory_space<hbm>> -> memref<10112x64xf32, #tpu.memory_space<hbm>>
      %dma_start3A_118 = arith.constant 0 : i32
      %dma_start3A_119 = tpu.memref_slice %dma_start3A_117[%mul3A_112, %dma_start3A_118] : memref<10112x64xf32, #tpu.memory_space<hbm>> -> memref<632x64xf32, #tpu.memory_space<hbm>>
      %dma_start3A_120 = arith.constant 0 : i32
      %dma_start3A_121 = tpu.memref_slice %arg5[%mul3A_112, %dma_start3A_120] : memref<10112x64xf32, #tpu.memory_space<vmem_shared>> -> memref<632x64xf32, #tpu.memory_space<vmem_shared>>
      tpu.enqueue_dma source(%dma_start3A_121 : memref<632x64xf32, #tpu.memory_space<vmem_shared>>) target(%dma_start3A_119 : memref<632x64xf32, #tpu.memory_space<hbm>>) target_semaphore(%run_scoped3A_113 : memref<!tpu.dma_semaphore, #tpu.memory_space<semaphore_mem>>)
      %dma_wait3A_122 = arith.constant 0 : i32
      %dma_wait3A_123 = arith.constant 0 : i32
      %dma_wait3A_124 = tpu.memref_slice %arg4[%arg0, %dma_wait3A_122, %dma_wait3A_123] : memref<2x10112x64xf32, #tpu.memory_space<hbm>> -> memref<1x10112x64xf32, #tpu.memory_space<hbm>>
      %dma_wait3A_125 = tpu.memref_squeeze %dma_wait3A_124 : memref<1x10112x64xf32, #tpu.memory_space<hbm>> -> memref<10112x64xf32, #tpu.memory_space<hbm>>
      %dma_wait3A_126 = arith.constant 0 : i32
      %dma_wait3A_127 = tpu.memref_slice %dma_wait3A_125[%mul3A_112, %dma_wait3A_126] : memref<10112x64xf32, #tpu.memory_space<hbm>> -> memref<632x64xf32, #tpu.memory_space<hbm>>
      %dma_wait3A_128 = arith.constant 0 : i32
      %dma_wait3A_129 = tpu.memref_slice %arg5[%mul3A_112, %dma_wait3A_128] : memref<10112x64xf32, #tpu.memory_space<vmem_shared>> -> memref<632x64xf32, #tpu.memory_space<vmem_shared>>
      tpu.wait_dma2 semaphore(%run_scoped3A_113 : memref<!tpu.dma_semaphore, #tpu.memory_space<semaphore_mem>>) src(%dma_wait3A_129 : memref<632x64xf32, #tpu.memory_space<vmem_shared>>) dst(%dma_wait3A_127 : memref<632x64xf32, #tpu.memory_space<hbm>>)
      tpu.yield
    }) : () -> ()
    return
  }
}

module attributes {stable_mosaic.version = 14 : i64} {
  func.func @_tc_body(%arg0: i32, %arg1: memref<2x1000x64xf32, #tpu.memory_space<vmem>>, %arg2: memref<128x128xf32, #tpu.memory_space<vmem>>, %arg3: memref<1000x128xf32, #tpu.memory_space<vmem>>) attributes {dimension_semantics = [#tpu.dimension_semantics<arbitrary>], iteration_bounds = array<i64: 10>, scalar_prefetch = 0 : i64, scratch_operands = 0 : i64, tpu.core_type = #tpu.core_type<tc>, window_params = [{transform_indices = @transform_0, window_bounds = array<i64: 2, 1000, 64>}, {pipeline_mode = #tpu.pipeline_mode<synchronous>, transform_indices = @transform_1, window_bounds = array<i64: 128, 128>}, {transform_indices = @transform_2, window_bounds = array<i64: 1000, 128>}]} {
    %get3A = arith.constant 0 : index
    %get3A_0 = arith.constant 0 : index
    %get3A_1 = arith.constant 0 : index
    %get3A_2 = vector.load %arg1[%get3A, %get3A_0, %get3A_1] : memref<2x1000x64xf32, #tpu.memory_space<vmem>>, vector<1x1000x64xf32>
    %get3A_3 = vector.shape_cast %get3A_2 : vector<1x1000x64xf32> to vector<1000x64xf32>
    %get3A_4 = arith.constant 1 : index
    %get3A_5 = arith.constant 0 : index
    %get3A_6 = arith.constant 0 : index
    %get3A_7 = vector.load %arg1[%get3A_4, %get3A_5, %get3A_6] : memref<2x1000x64xf32, #tpu.memory_space<vmem>>, vector<1x1000x64xf32>
    %get3A_8 = vector.shape_cast %get3A_7 : vector<1x1000x64xf32> to vector<1000x64xf32>
    %concatenate3A = tpu.concatenate %get3A_3, %get3A_8 in 1 : vector<1000x64xf32>, vector<1000x64xf32> -> vector<1000x128xf32>
    %get3A_9 = arith.constant 0 : index
    %get3A_10 = arith.constant 0 : index
    %get3A_11 = vector.load %arg2[%get3A_9, %get3A_10] : memref<128x128xf32, #tpu.memory_space<vmem>>, vector<128x128xf32>
    %dot_general3A = arith.constant dense<0.000000e+00> : vector<1000x128xf32>
    %dot_general3A_12 = tpu.matmul %concatenate3A, %get3A_11, %dot_general3A {dimension_numbers = #tpu.dot_dimension_numbers<[1], [0], [0], [1], [0, 0, 1, 1], [], []>, transpose_lhs_hint = false} : vector<1000x128xf32>, vector<128x128xf32>, vector<1000x128xf32> -> vector<1000x128xf32>
    %swap3A = arith.constant 0 : index
    %swap3A_13 = arith.constant 0 : index
    %swap3A_14 = vector.load %arg3[%swap3A, %swap3A_13] : memref<1000x128xf32, #tpu.memory_space<vmem>>, vector<1000x128xf32>
    tpu.vector_store %arg3[%swap3A, %swap3A_13], %dot_general3A_12 {strides = array<i32>} : memref<1000x128xf32, #tpu.memory_space<vmem>>, vector<1000x128xf32>,
    return
  }
  func.func @transform_0(%arg0: i32) -> (i32, i32, i32) {
    %c0_i32 = arith.constant 0 : i32
    %c0_i32_0 = arith.constant 0 : i32
    %c0_i32_1 = arith.constant 0 : i32
    return %c0_i32, %arg0, %c0_i32_0 : i32, i32, i32
  }
  func.func @transform_1(%arg0: i32) -> (i32, i32) {
    %c0_i32 = arith.constant 0 : i32
    %c0_i32_0 = arith.constant 0 : i32
    %c0_i32_1 = arith.constant 0 : i32
    return %c0_i32, %c0_i32_0 : i32, i32
  }
  func.func @transform_2(%arg0: i32) -> (i32, i32) {
    %c0_i32 = arith.constant 0 : i32
    %c0_i32_0 = arith.constant 0 : i32
    return %arg0, %c0_i32 : i32, i32
  }
}

</mosaic_0001>

<sc_bundles>
// kernel: kernel.4.cloned.1.call-start
scs
__scs_entry_jumppad:
0x0: {  	(pc) =	sbr.rel $0x88, $3  }
0x1: {  	(tag) =	ssettag $0x0;
	lr =	simm.s32 $0x1  }
0x2: {  	[smem:$0x3F9E] =	sst lr;
	_ =	strace $0xD0000000  }
0x3: {  	_ = 	snop  }
0x4: {  	_ = 	snop  }
0x5: {  	_ = 	snop  }
0x6: {  	_ = 	snop  }
0x7: {  	_ = 	snop  }
__scs_overlays_trampoline_lowered:
0x8: {  	[smem:$0x3FAD] =	sst s0  }
0x9: {  	[smem:$0x3FAE] =	sst s1  }
0xa: {  	[smem:$0x3FAF] =	sst s2  }
0xb: {  	[smem:$0x3FB0] =	sst s3  }
0xc: {  	[smem:$0x3FB1] =	sst s4  }
0xd: {  	[smem:$0x3FB2] =	sst s5  }
0xe: {  	[smem:$0x3FB3] =	sst s6  }
0xf: {  	[smem:$0x3FB4] =	sst s7  }
0x10: {  	[smem:$0x3FB5] =	sst s8  }
0x11: {  	[smem:$0x3FB6] =	sst s9;
	s0 =	simm.s32 @!p0 $0x0  }
0x12: {  	s1 =	sld [smem:$0x3F9C];
	s0 =	simm.s32 @p0 $0x1  }
0x13: {  	[smem:$0x3FB7] =	sst s0;
	s0 =	simm.s32 @!p1 $0x0  }
0x14: {  	s2 =	sld [smem:$0x3F9B];
	s0 =	simm.s32 @p1 $0x1  }
0x15: {  	[smem:$0x3FB8] =	sst s0;
	s0 =	simm.s32 @!p2 $0x0  }
0x16: {  	s3 =	sld [smem:$0x3FDB];
	s0 =	simm.s32 @p2 $0x1  }
0x17: {  	s4 =	simm.s32 $0x1BF5;
	[smem:$0x3FBA] =	sst s0  }
0x18: {  	s0 =	sld [smem:$0x3F9D];
	_ =	swait.ge [sflag:s4], $0x0  }
0x19: {  	s7 =	sld [smem:$0x3F9E]  }
0x1a: {  	s8 =	sadd.s32 $0xFFFFE003, lr  }
0x1b: {  	s9 =	sadd.s32 $0xFFFFFEF7, lr;
	s5 =	simm.s32 $0xFFFFFFFF;
	p2 =	slt.u32 s8, $0xFFFFF086  }
0x1c: {  	p1 =	slt.u32 s9, $0xF7A;
	s5 =	simm.s32 @!p2 $0x0  }
0x1d: {  	s5 =	simm.s32 @p1 $0x1;
	p0 =	seq.s32 s7, s2  }
0x1e: {  	s7 =	smul.u32 @!p0 $0xF7A, s2;
	p2 =	seq.s32 @!p0 s5, $0x0  }
0x1f: {  	s9 =	smul.u32 $0xF7A, s1;
	s8 =	simm.s32 @!p0 $0x1BF5;
	p2 =	por !p2, p0  }
0x20: {  	[sflag:s8] =	ssyncset.s32 @!p0 $0xFFFFF086;
	s6 =	sadd.s32 @!p0 s3, s7;
	s7 =	simm.s32 @!p0 $0x108  }
0x21: {  	s3 =	sadd.s32 s3, s9;
	s6 =	sadd.s32 @!p0 $0x88, s6;
	s7 =	simm.s32 @p2 $0x1082  }
0x22: {  	[simem:s7], [sflag:s8] =	dma.local @!p0 [hbm:s6], $0xF7A  }
0x23: {  	s9 =	sor.u32 $0xD0000000, s2;
	s6 =	simm.s32 $0x108;
	_ =	swait.ge @!p0 [sflag:s8], $0x0  }
0x24: {  	s3 =	sadd.s32 $0x88, s3;
	s6 =	simm.s32 @!p1 $0x1082;
	[sflag:s4] =	ssyncset.s32 $0xFFFFF086  }
0x25: {  	[simem:s6], [sflag:s4] =	dma.local [hbm:s3], $0xF7A  }
0x26: {  	[smem:$0x3F9E] =	sst s1;
	(tag) =	ssettag s2;
	_ =	strace s9  }
0x27: {  	s1 =	sld [smem:$0x3FAE]  }
0x28: {  	s2 =	sld [smem:$0x3FAF]  }
0x29: {  	s4 =	sld [smem:$0x3FB1]  }
0x2a: {  	p0 =	seq.s32 s5, $0x0;
	s5 =	sld [smem:$0x3FB2]  }
0x2b: {  	s6 =	sld [smem:$0x3FB3]  }
0x2c: {  	s7 =	sld [smem:$0x3FB4]  }
0x2d: {  	s3 =	simm.s32 $0x108;
	s8 =	sld [smem:$0x3FB5]  }
0x2e: {  	s3 =	simm.s32 @!p0 $0x1082;
	s9 =	sld [smem:$0x3FB6]  }
0x2f: {  	lr =	sadd.s32 s0, s3;
	s0 =	sld [smem:$0x3FAD]  }
0x30: {  	s3 =	sld [smem:$0x3FB0]  }
0x31: {  	[smem:$0x3FB9] =	sst s10  }
0x32: {  	s10 =	sld [smem:$0x3FB7];
	_ =	sdelay $0x3  }
0x33: {  	p0 =	seq.s32 s10, $0x1;
	s10 =	sld [smem:$0x3FB9];
	_ =	sdelay $0x3  }
0x34: {  	[smem:$0x3FB9] =	sst s10  }
0x35: {  	s10 =	sld [smem:$0x3FB8];
	_ =	sdelay $0x3  }
0x36: {  	p1 =	seq.s32 s10, $0x1;
	s10 =	sld [smem:$0x3FB9];
	_ =	sdelay $0x3  }
0x37: {  	[smem:$0x3FB9] =	sst s10  }
0x38: {  	s10 =	sld [smem:$0x3FBA]  }
0x39: {  	_ = 	snop;
	(pc) =	sbr.ind lr, $3  }
0x3a: {  	_ = 	snop  }
0x3b: {  	_ = 	snop  }
0x3c: {  	p2 =	seq.s32 s10, $0x1;
	s10 =	sld [smem:$0x3FB9]  }
0x3d: {  	_ =	shalt  }
0x3e: {  	_ =	shalt  }
0x3f: {  	_ =	shalt  }
0x40: {  	_ =	shalt  }
0x41: {  	_ =	shalt  }
0x42: {  	_ =	shalt  }
0x43: {  	_ =	shalt  }
0x44: {  	_ =	shalt  }
0x45: {  	_ =	shalt  }
0x46: {  	_ =	shalt  }
0x47: {  	_ =	shalt  }
0x48: {  	_ =	shalt  }
0x49: {  	_ =	shalt  }
0x4a: {  	_ =	shalt  }
0x4b: {  	_ =	shalt  }
0x4c: {  	_ =	shalt  }
0x4d: {  	_ =	shalt  }
0x4e: {  	_ =	shalt  }
0x4f: {  	_ =	shalt  }
0x50: {  	_ =	shalt  }
0x51: {  	_ =	shalt  }
0x52: {  	_ =	shalt  }
0x53: {  	_ =	shalt  }
0x54: {  	_ =	shalt  }
0x55: {  	_ =	shalt  }
0x56: {  	_ =	shalt  }
0x57: {  	_ =	shalt  }
0x58: {  	_ =	shalt  }
0x59: {  	_ =	shalt  }
0x5a: {  	_ =	shalt  }
0x5b: {  	_ =	shalt  }
0x5c: {  	_ =	shalt  }
0x5d: {  	_ =	shalt  }
0x5e: {  	_ =	shalt  }
0x5f: {  	_ =	shalt  }
0x60: {  	_ =	shalt  }
0x61: {  	_ =	shalt  }
0x62: {  	_ =	shalt  }
0x63: {  	_ =	shalt  }
0x64: {  	_ =	shalt  }
0x65: {  	_ =	shalt  }
0x66: {  	_ =	shalt  }
0x67: {  	_ =	shalt  }
0x68: {  	_ =	shalt  }
0x69: {  	_ =	shalt  }
0x6a: {  	_ =	shalt  }
0x6b: {  	_ =	shalt  }
0x6c: {  	_ =	shalt  }
0x6d: {  	_ =	shalt  }
0x6e: {  	_ =	shalt  }
0x6f: {  	_ =	shalt  }
0x70: {  	_ =	shalt  }
0x71: {  	_ =	shalt  }
0x72: {  	_ =	shalt  }
0x73: {  	_ =	shalt  }
0x74: {  	_ =	shalt  }
0x75: {  	_ =	shalt  }
0x76: {  	_ =	shalt  }
0x77: {  	_ =	shalt  }
0x78: {  	_ =	shalt  }
0x79: {  	_ =	shalt  }
0x7a: {  	_ =	shalt  }
0x7b: {  	_ =	shalt  }
0x7c: {  	_ =	shalt  }
0x7d: {  	_ =	shalt  }
0x7e: {  	_ =	shalt  }
0x7f: {  	_ =	shalt  }
0x80: {  	_ =	shalt  }
0x81: {  	_ =	shalt  }
0x82: {  	_ =	shalt  }
0x83: {  	_ =	shalt  }
0x84: {  	_ =	shalt  }
0x85: {  	_ =	shalt  }
0x86: {  	_ =	shalt  }
0x87: {  	_ =	shalt  }
.Lfunc_end0:
.L_simem_size_0:
called_computation_lowered:
.L_overlay_start_0:
0x88: {  	s2 =	sld [smem:$0x3FD9]  }
0x89: {  	s3 =	sld [smem:$0x3FFE];
	_ =	sdelay $0x1  }
0x8a: {  	s1 =	srdreg.scid  }
0x8b: {  	s0 =	sand.u32 $0x1, s1  }
0x8c: {  	s17 =	sshll.u32 s0, $0xA;
	s2 =	sadd.s32 s3, s2  }
0x8d: {  	s2 =	sadd.s32 s2, s17  }
0x8e: {  	[smem:$0x3FC5] =	sst s2  }
0x8f: {  	_ = 	snop  }
0x90: {  	s2 =	sld [smem:$0x3FC9]  }
0x91: {  	s18 =	sld [smem:$0x3FD0];
	(tm) =	ssettm $0x1  }
0x92: {  	s4 =	sld [smem:$0x3FFB];
	_ =	sdelay $0x3  }
0x93: {  	_ =	strace s4  }
0x94: {  	s4 =	sld [smem:$0x3FFC];
	_ =	sdelay $0x3  }
0x95: {  	_ =	strace s4  }
0x96: {  	s4 =	sld [smem:$0x3FFD];
	_ =	sdelay $0x3  }
0x97: {  	_ =	strace s4  }
0x98: {  	_ =	strace $0x8FFFFFFF  }
0x99: {  	s19 =	sld [smem:$0x3FDB];
	_ =	sdelay $0x1  }
0x9a: {  	s5 =	simm.s32 $_scs_section_size  }
0x9b: {  	s6 =	simm.s32 $_size__tile_overlayer_lowered;
	s7 =	simm.s32 $_tile_overlayer_lowered  }
0x9c: {  	s22 =	simm.s32 $0x1BFF;
	s21 =	sshll.u32 s7, $0x1;
	s4 =	sadd.s32 s5, s19  }
0x9d: {  	s8 =	simm.s32 $0x0;
	s20 =	sshll.u32 s6, $0x1;
	s6 =	sadd.s32 s21, s4  }
0x9e: {  	[timem:s8], [sflag:s22] =	dma.local [hbm:s6], s20  }
0x9f: {  	_ =	swait.ge [sflag:s22], s20  }
0xa0: {  	s5 =	ssub.s32 $0x0, s20;
	[sflag:s22] =	ssyncset.done $0x0  }
0xa1: {  	[sflag:s22] =	ssyncadd.s32 s5;
	_ =	sdelay $0x1  }
0xa2: {  	s23 =	simm.s32 $0x1B8B  }
0xa3: {  	_ =	swait.ge [sflag:s23], $0x1  }
0xa4: {  	[sflag:s23] =	ssyncset.done $0x0  }
0xa5: {  	s25 =	simm.s32 $0x1B8E;
	s24 =	sld [smem:$0x3FFE];
	[sflag:s23] =	ssyncadd.s32 $0xFFFFFFFF  }
0xa6: {  	s26 =	simm.s32 $execute0_lowered;
	[smem:$0x3FD2] =	sst s25  }
0xa7: {  	s6 =	sshll.u32 s26, $0x1;
	_ =	strace $0x80000046;
	[dreg:$0x1] =	wrdreg $0xFFFFFFFF  }
0xa8: {  	s28 =	simm.s32 $_size_execute0_lowered;
	s4 =	sadd.s32 s4, s6;
	[dreg:$0x0] =	wrdreg $0x0  }
0xa9: {  	s6 =	sshll.u32 s28, $0x1;
	[dreg:$0x2] =	wrdreg s4  }
0xaa: {  	[dreg:$0x3] =	wrdreg s6  }
0xab: {  	[dreg:$0x4] =	wrdreg $0xC0  }
0xac: {  	_ =	task [dreg:s8], $0x5FFFF  }
0xad: {  	[dreg:$0x1] =	wrdreg $0xFFFFFFFF  }
0xae: {  	[dreg:$0x0] =	wrdreg $0x60  }
0xaf: {  	[dreg:$0x2] =	wrdreg s2  }
0xb0: {  	[dreg:$0x3] =	wrdreg s18  }
0xb1: {  	[dreg:$0x4] =	wrdreg s24  }
0xb2: {  	[dreg:$0x5] =	wrdreg $0xFEE00  }
0xb3: {  	[dreg:$0x6] =	wrdreg $0x0  }
0xb4: {  	[dreg:$0x7] =	wrdreg $0x9  }
0xb5: {  	_ =	task.clear_ibuf [dreg:s8], $0x8FFFF;
	_ =	strace $0x90000046  }
0xb6: {  	s29 =	simm.s32 $0x9;
	_ =	strace $0x80000048  }
0xb7: {  	_ =	swait.ge [sflag:s29], $0x1  }
0xb8: {  	[sflag:s29] =	ssyncadd.s32 $0xFFFFFFFF  }
0xb9: {  	_ =	strace $0x90000048  }
0xba: {  	_ =	sfence  }
0xbb: {  	s30 =	sld [smem:$0x0];
	_ =	sdelay $0x2  }
0xbc: {  	s31 =	sshll.u32 s1, $0xD;
	s1 =	sshrl.u32 s1, $0x2  }
0xbd: {  	s3 =	sand.u32 $0x4000, s31;
	s1 =	sadd.s32 s1, s30  }
0xbe: {  	s0 =	sor.u32 s3, s0;
	s1 =	sshll.u32 s1, $0x11  }
0xbf: {  	s0 =	sor.u32 s1, s0  }
0xc0: {  	s0 =	sadd.s32 $0x8F2B, s0  }
0xc1: {  	[sflag:s0] =	ssyncadd.remote.s32 $0x1  }
0xc2: {  	_ =	sfence.sel $0xFFFF  }
0xc3: {  	[dreg:$0x0] =	wrdreg $0xFFFFFFFF;
	(pc) =	sbr.abs _section_cstart, $3  }
0xc4: {  	[dreg:$0x1] =	wrdreg $0xFFFFFFFF  }
0xc5: {  	_ =	task.clear_ibuf [dreg:s8], $0x2FFFF;
	_ =	strace $0x9FFFFFFF  }
0xc6: {  	(tm) =	ssettm $0x7FFFFFFF  }
0xc7: {  	_ =	shalt  }
tec
execute0_lowered:
.L_overlay_start_1:
0x0: {  	(tag) =	ssettag $0x1  }
0x1: {  	s0 =	rddreg [dreg:$0x0]  }
0x2: {  	s1 =	rddreg [dreg:$0x1]  }
0x3: {  	s5 =	rddreg [dreg:$0x2]  }
0x4: {  	s2 =	rddreg [dreg:$0x3]  }
0x5: {  	s3 =	rddreg [dreg:$0x4];
	s4 =	simm.s32 $0x0;
	s6 =	srdreg.scid  }
0x6: {  	[smem:$0x7FF] =	sst s4;
	s8 =	sand.u32 $0x1, s6  }
0x7: {  	s4 =	stileid.u32;
	s16 =	sadd.s32 $0x94200, s2;
	s6 =	smul.u32 $0x13C00, s8  }
0x8: {  	_ =	strace $0x80000047;
	s7 =	smul.u32 $0x13C00, s4;
	s24 =	ssub.s32 $0x2, s8  }
0x9: {  	s9 =	sshll.u32 s8, $0x6;
	s12 =	smul.u32 $0x9E00, s4;
	s8 =	sshll.u32 s8, $0x3  }
0xa: {  	s15 =	smul.u32 $0x9C4, s4;
	p0 =	seq.s32 s4, $0xF;
	s10 =	sshrl.u32 s24, $0x1  }
0xb: {  	s5 =	sadd.s32 s6, s5;
	s7 =	sor.u32 s9, s7;
	s13 =	ssub.s32 s24, s10  }
0xc: {  	s6 =	smul.u32 $0x4E20, s4;
	s14 =	sadd.s32 s12, s2;
	s11 =	sadd.s32 s12, s3  }
0xd: {  	s10 =	sadd.s32 $0x9C40, s1;
	s12 =	sshrl.u32 s12, $0x3;
	s26 =	sadd.s32 s15, s1  }
0xe: {  	s7 =	sshrl.u32 s7, $0x3;
	s13 =	smax.u32 s13, $0x1;
	[dreg:$0x6] =	wrdreg s11  }
0xf: {  	s5 =	sadd.s32 $0x600, s5;
	[dreg:$0xa] =	wrdreg s13;
	s13 =	sadd.s32 $0x32, s26  }
0x10: {  	s25 =	sshrl.u32 s6, $0x3;
	s31 =	sadd.s32 s12, s5;
	[dreg:$0xb] =	wrdreg s13  }
0x11: {  	s7 =	sadd.s32 s0, s7;
	s17 =	sadd.s32 s1, s25;
	[dreg:$0x11] =	wrdreg s31  }
0x12: {  	s0 =	sadd.s32 s8, s0;
	s13 =	sshrl.u32 @p0 s16, $0x3;
	[dreg:$0x7] =	wrdreg s17  }
0x13: {  	s9 =	sadd.s32 $0x25080, s0;
	s28 =	sadd.s32 s25, s10;
	[dreg:$0xc] =	wrdreg s13  }
0x14: {  	s0 =	sadd.s32 $0x94200, s3;
	s18 =	sadd.s32 $0xA, s17;
	[dreg:$0x10] =	wrdreg s28  }
0x15: {  	s30 =	simm.s32 $0x50;
	s0 =	sshrl.u32 @p0 s0, $0x3;
	[dreg:$0x8] =	wrdreg s18  }
0x16: {  	s17 =	sadd.s32 $0x14, s17;
	[dreg:$0xd] =	wrdreg s0;
	s0 =	sshll.u32 @!p0 s4, $0x6  }
0x17: {  	[dreg:$0x9] =	wrdreg s17;
	s19 =	sor.u32 @!p0 $0x1C0F, s0;
	s0 =	sshrl.u32 @!p0 s14, $0x3  }
0x18: {  	s29 =	simm.s32 $0x0;
	[dreg:$0xe] =	wrdreg s0;
	s0 =	sshrl.u32 @!p0 s11, $0x3  }
0x19: {  	s15 =	sadd.s32 $0x140, s6;
	s25 =	simm.s32 $0xF;
	[dreg:$0xf] =	wrdreg s0  }
.LBB2_1:
0x1a: {  	s5 =	simm.s32 @p0 $0x1;
	s8 =	simm.s32 @p0 $0x8;
	s12 =	simm.s32 @p0 $0x10  }
0x1b: {  	s13 =	simm.s32 @p0 $0x1FCF;
	s0 =	rddreg [dreg:$0xc];
	s14 =	simm.s32 @p0 $0xF  }
0x1c: {  	[spmem:s0@s8], [sflag:s13] =	dma.strided @p0 [hbm:s9@s12], $0x1040, s5, $0x8   }
0x1d: {  	_ =	swait.ge @p0 [sflag:s14], $0x1040  }
0x1e: {  	[sflag:s14] =	ssyncset.done @p0 $0x0  }
0x1f: {  	s0 =	rddreg [dreg:$0xd];
	[sflag:s14] =	ssyncadd.s32 @p0 $0xFFFFEFC0  }
0x20: {  	[spmem:s0@s8], [sflag:s13] =	dma.strided @p0 [hbm:s9@s12], $0x1040, s5, $0x8   }
0x21: {  	s5 =	simm.s32 @!p0 $0x1;
	_ =	swait.ge @p0 [sflag:s14], $0x1040  }
0x22: {  	s8 =	simm.s32 @!p0 $0x8;
	s12 =	simm.s32 @!p0 $0x10;
	[sflag:s14] =	ssyncset.done @p0 $0x0  }
0x23: {  	s13 =	simm.s32 @!p0 $0xF;
	s0 =	rddreg [dreg:$0xe];
	[sflag:s14] =	ssyncadd.s32 @p0 $0xFFFFEFC0  }
0x24: {  	[spmem:s0@s8], [sflag:s19] =	dma.strided @!p0 [hbm:s7@s12], $0x13C0, s5, $0x8   }
0x25: {  	_ =	swait.ge @!p0 [sflag:s13], $0x13C0  }
0x26: {  	[sflag:s13] =	ssyncset.done @!p0 $0x0  }
0x27: {  	s0 =	rddreg [dreg:$0xf];
	[sflag:s13] =	ssyncadd.s32 @!p0 $0xFFFFEC40  }
0x28: {  	[spmem:s0@s8], [sflag:s19] =	dma.strided @!p0 [hbm:s7@s12], $0x13C0, s5, $0x8   }
0x29: {  	_ =	swait.ge @!p0 [sflag:s13], $0x13C0  }
0x2a: {  	s16 =	simm.s32 $0x0;
	[sflag:s13] =	ssyncset.done @!p0 $0x0  }
0x2b: {  	s17 =	simm.s32 $0x9E00;
	s4 =	rddreg [dreg:$0x10];
	[sflag:s13] =	ssyncadd.s32 @!p0 $0xFFFFEC40  }
0x2c: {  	[tilespmem:s17], [sflag:$0xF] =	stream.linear.gather [hbm4b:s4+s16], $0x7D0, $0x38;
	[tilespmem:$0x19CE0] =	vst v63  }
0x2d: {  	_ =	swait.ge [sflag:s25], $0x7D0  }
0x2e: {  	[sflag:s25] =	ssyncset.done $0x0  }
0x2f: {  	[sflag:s25] =	ssyncadd.s32 $0xFFFFF830  }
0x30: {  	[bflag:$0x0] =	sbarrier.arrive $0xFFFF  }
0x31: {  	s20 =	simm.s32 $0xFDA0;
	s18 =	rddreg [dreg:$0x7]  }
0x32: {  	[tilespmem:s20], [sflag:$0xF] =	stream.linear.gather [hbm4b:s18+s16], $0x50, $0x38;
	[tilespmem:$0x19CE0] =	vst v63  }
0x33: {  	_ =	swait.ge [sflag:s25], $0x50  }
0x34: {  	[sflag:s25] =	ssyncset.done $0x0  }
0x35: {  	s22 =	simm.s32 $0xFDF0;
	s21 =	rddreg [dreg:$0x8];
	[sflag:s25] =	ssyncadd.s32 $0xFFFFFFB0  }
0x36: {  	[tilespmem:s22], [sflag:$0x4] =	stream.linear.gather [hbm4b:s21+s16], $0x50, $0x38;
	[tilespmem:$0x19CE0] =	vst v63  }
0x37: {  	s11 =	simm.s32 $0xFE40;
	s23 =	rddreg [dreg:$0x9]  }
0x38: {  	[tilespmem:s11], [sflag:$0x5] =	stream.linear.gather [hbm4b:s23+s16], $0x50, $0x38;
	[tilespmem:$0x19CE0] =	vst v63  }
0x39: {  	s24 =	simm.s32 $0xADA0;
	s26 =	simm.s32 $0x4  }
0x3a: {  	[tilespmem:s24], [sflag:$0x7] =	stream.indirect.gather [spmem:s2], $0x40, s20, s30, $0xb8;
	[tilespmem:$0x19CE0] =	vst v63  }
0x3b: {  	s28 =	simm.s32 $0xC1A0;
	_ =	swait.ge [sflag:s26], $0x50  }
0x3c: {  	p1 =	por $0x0, $0x0;
	s8 =	simm.s32 $0x0;
	[sflag:s26] =	ssyncset.done $0x0  }
0x3d: {  	s23 =	simm.s32 $0x0;
	s31 =	rddreg [dreg:$0xb];
	[sflag:s26] =	ssyncadd.s32 $0xFFFFFFB0  }
0x3e: {  	[tilespmem:s28], [sflag:$0x8] =	stream.indirect.gather [spmem:s2], $0x40, s22, s30, $0xb8;
	[tilespmem:$0x19CE0] =	vst v63  }
.LBB2_2:
0x3f: {  	s5 =	sadd.s32 $0x1, s8;
	p2 =	seq.s32 s8, $0x9  }
0x40: {  	s12 =	smul.u32 @!p2 $0x7D0, s5;
	s13 =	sand.u32 @!p2 $0x1, s5  }
0x41: {  	s14 =	smul.u32 @!p2 $0x1F40, s13  }
0x42: {  	s16 =	simm.s32 @!p2 $0x0;
	s12 =	sadd.s32 @!p2 s6, s12  }
0x43: {  	p3 =	seq.s32 @!p2 s8, $0x0;
	s14 =	sshrl.u32 @!p2 s14, $0x2;
	s12 =	sshrl.u32 @!p2 s12, $0x3  }
0x44: {  	s13 =	sadd.s32 @!p2 $0x1, s13;
	s14 =	sadd.s32 @!p2 $0x9E00, s14;
	s12 =	sadd.s32 @!p2 s10, s12  }
0x45: {  	[tilespmem:s14], [sflag:s13] =	stream.linear.gather @!p2 [hbm4b:s12+s16], $0x7D0, $0x38;
	[tilespmem:$0x19CE0] =	vst v63  }
0x46: {  	p2 =	por p2, !p3;
	s12 =	sand.u32 $0x1, s8;
	s16 =	smul.u32 $0x19, s8  }
0x47: {  	s13 =	sadd.s32 @p2 $0x1, s12  }
0x48: {  	s12 =	smul.u32 $0x1F40, s12;
	_ =	swait.ge @p2 [sflag:s13], $0x7D0;
	s14 =	sand.u32 $0x3, s16  }
0x49: {  	s22 =	sadd.s32 $0x3, s16;
	s16 =	sadd.s32 $0x1, s16;
	[sflag:s13] =	ssyncset.done @p2 $0x0  }
0x4a: {  	s24 =	smul.u32 $0x5000, s14;
	s17 =	sshrl.u32 s12, $0x2;
	s26 =	sadd.s32 $0x7, s14  }
0x4b: {  	s20 =	sxor.u32 $0x2, s14;
	s12 =	sadd.s32 $0xB, s14;
	s16 =	sand.u32 $0x3, s16  }
0x4c: {  	[sflag:s13] =	ssyncadd.s32 @p2 $0xFFFFF830;
	s18 =	sadd.s32 $0x9E00, s17;
	s21 =	smul.u32 $0x140, s20  }
0x4d: {  	s0 =	sadd.s32 $0x3, s20;
	s11 =	smul.u32 $0x5000, s20;
	s20 =	sadd.s32 $0x7, s20  }
0x4e: {  	s17 =	sadd.s32 $0x9E50, s17;
	s13 =	sshrl.u32 s24, $0x2;
	_ =	swait.ge [sflag:s26], $0x1400  }
0x4f: {  	s13 =	sadd.s32 $0xADA0, s13;
	[sflag:s26] =	ssyncset.done $0x0;
	s4 =	sshrl.u32 s21, $0x2  }
0x50: {  	s21 =	sshrl.u32 s11, $0x2;
	[sflag:s26] =	ssyncadd.s32 $0xFFFFEC00;
	s24 =	sadd.s32 $0xFDA0, s4  }
0x51: {  	[spmem:s3] =	stream.indirect.scatter.add.f32 [tilespmem:s13], [sflag:s12], $0x40, s18, s30, $0xb8;
	[tilespmem:$0x19CE0] =	vst v63  }
0x52: {  	s13 =	sand.u32 $0x3, s22;
	s22 =	smul.u32 $0x50, s22;
	_ =	swait.ge [sflag:s0], $0x50  }
0x53: {  	s18 =	sadd.s32 $0xADA0, s21;
	s21 =	sadd.s32 $0x7, s16;
	[sflag:s0] =	ssyncset.done $0x0  }
0x54: {  	s26 =	smul.u32 $0x140, s13;
	s4 =	sadd.s32 s6, s22;
	[sflag:s0] =	ssyncadd.s32 $0xFFFFFFB0  }
0x55: {  	[tilespmem:s18], [sflag:s20] =	stream.indirect.gather [spmem:s2], $0x40, s24, s30, $0xb8;
	[tilespmem:$0x19CE0] =	vst v63  }
0x56: {  	s11 =	sadd.s32 $0x3, s13;
	s0 =	sshrl.u32 s26, $0x2;
	s20 =	sshrl.u32 s4, $0x3  }
0x57: {  	s22 =	simm.s32 $0x0;
	s18 =	sadd.s32 $0xFDA0, s0;
	s20 =	sadd.s32 s1, s20  }
0x58: {  	[tilespmem:s18], [sflag:s11] =	stream.linear.gather [hbm4b:s20+s22], $0x50, $0x38;
	[tilespmem:$0x19CE0] =	vst v63  }
0x59: {  	s24 =	sadd.s32 $0xB, s16;
	s20 =	smul.u32 $0x5000, s16;
	s16 =	sxor.u32 $0x2, s16  }
0x5a: {  	_ =	swait.ge [sflag:s21], $0x1400;
	s26 =	smul.u32 $0x140, s16;
	s0 =	sadd.s32 $0x3, s16  }
0x5b: {  	s4 =	smul.u32 $0x5000, s16;
	s18 =	sshrl.u32 s20, $0x2;
	[sflag:s21] =	ssyncset.done $0x0  }
0x5c: {  	s16 =	sadd.s32 $0x7, s16;
	s18 =	sadd.s32 $0xADA0, s18;
	[sflag:s21] =	ssyncadd.s32 $0xFFFFEC00  }
0x5d: {  	[spmem:s3] =	stream.indirect.scatter.add.f32 [tilespmem:s18], [sflag:s24], $0x40, s17, s30, $0xb8;
	[tilespmem:$0x19CE0] =	vst v63  }
0x5e: {  	s20 =	sshrl.u32 s4, $0x2;
	s17 =	sshrl.u32 s26, $0x2;
	_ =	swait.ge [sflag:s0], $0x50  }
0x5f: {  	s11 =	sadd.s32 $0xADA0, s20;
	s18 =	smul.u32 $0x7D0, s8;
	[sflag:s0] =	ssyncset.done $0x0  }
0x60: {  	s20 =	smul.u32 $0x140, s14;
	s17 =	sadd.s32 $0xFDA0, s17;
	[sflag:s0] =	ssyncadd.s32 $0xFFFFFFB0  }
0x61: {  	[tilespmem:s11], [sflag:s16] =	stream.indirect.gather [spmem:s2], $0x40, s17, s30, $0xb8;
	[tilespmem:$0x19CE0] =	vst v63  }
0x62: {  	s14 =	sadd.s32 $0x3, s14;
	s8 =	sadd.s32 s15, s18;
	s16 =	simm.s32 $0x1  }
0x63: {  	s8 =	sshrl.u32 s8, $0x3;
	s17 =	sshrl.u32 s20, $0x2;
	s16 =	simm.s32 @!p1 $0x0  }
0x64: {  	s8 =	sadd.s32 s1, s8;
	s17 =	sadd.s32 $0xFDA0, s17;
	s16 =	smul.u32 $0x1F40, s16  }
0x65: {  	[tilespmem:s17], [sflag:s14] =	stream.linear.gather [hbm4b:s8+s22], $0x50, $0x38;
	[tilespmem:$0x19CE0] =	vst v63  }
0x66: {  	s22 =	sadd.s32 $0x0, s23;
	s8 =	simm.s32 $0x1;
	s17 =	sadd.s32 $0xA, s31  }
0x67: {  	s24 =	sadd.s32 $0x2, s22;
	s20 =	sadd.s32 $0xFFFFFF0B, s22;
	s21 =	sshrl.u32 s16, $0x2  }
0x68: {  	p2 =	sgt.u32 s24, $0xF7;
	s16 =	sadd.s32 $0x9EA0, s21;
	s21 =	sand.u32 $0x3, s24  }
0x69: {  	p3 =	seq.s32 @!p2 s20, $0x0;
	s14 =	sadd.s32 $0x50, s16;
	s0 =	smul.u32 $0x5000, s21  }
0x6a: {  	s4 =	sadd.s32 $0x7, s21;
	s26 =	sxor.u32 $0x2, s21;
	s21 =	sadd.s32 $0xB, s21  }
0x6b: {  	p4 =	por p3, p2;
	_ =	swait.ge [sflag:s4], $0x1400;
	s28 =	sadd.s32 $0xB, s26  }
0x6c: {  	s22 =	smul.u32 @!p2 $0x140, s26;
	s11 =	sshrl.u32 s0, $0x2;
	[sflag:s4] =	ssyncset.done $0x0  }
0x6d: {  	s20 =	sadd.s32 @!p4 $0x0, s23;
	s18 =	sadd.s32 $0xADA0, s11;
	[sflag:s4] =	ssyncadd.s32 $0xFFFFEC00  }
0x6e: {  	[spmem:s3] =	stream.indirect.scatter.add.f32 [tilespmem:s18], [sflag:s21], $0x40, s16, s30, $0xb8;
	[tilespmem:$0x19CE0] =	vst v63  }
0x6f: {  	s24 =	smul.u32 @!p2 $0x5000, s26;
	s20 =	sadd.s32 @!p4 $0x5, s20;
	s18 =	sadd.s32 @!p2 $0x7, s26  }
0x70: {  	s16 =	sadd.s32 @!p2 $0x3, s26;
	s21 =	sshrl.u32 @!p2 s22, $0x2;
	_ =	swait.ge [sflag:s28], $0x1400  }
0x71: {  	s22 =	sshrl.u32 @!p2 s24, $0x2;
	s24 =	sand.u32 @!p4 $0x3, s20;
	[sflag:s28] =	ssyncset.done $0x0  }
0x72: {  	s20 =	sadd.s32 @!p2 $0xFDA0, s21;
	s11 =	smul.u32 @!p4 $0x140, s24;
	[sflag:s28] =	ssyncadd.s32 $0xFFFFEC00  }
0x73: {  	s26 =	sadd.s32 @!p4 $0x3, s24;
	s21 =	simm.s32 @!p4 $0x0;
	_ =	swait.ge @!p2 [sflag:s16], $0x50  }
0x74: {  	s24 =	simm.s32 @!p2 $0x50;
	s28 =	sadd.s32 @!p2 $0xADA0, s22;
	[sflag:s16] =	ssyncset.done @!p2 $0x0  }
0x75: {  	s22 =	sshrl.u32 @!p4 s11, $0x2;
	[sflag:s16] =	ssyncadd.s32 @!p2 $0xFFFFFFB0;
	s16 =	smov.u32 s31  }
.LBB2_3:
0x76: {  	[tilespmem:s28], [sflag:s18] =	stream.indirect.gather @!p2 [spmem:s2], $0x40, s20, s24, $0xb8;
	[tilespmem:$0x19CE0] =	vst v63  }
0x77: {  	s11 =	sadd.s32 @!p4 $0xFDA0, s22;
	s20 =	smov.u32 s8;
	s8 =	sadd.s32 $0x1, s8  }
0x78: {  	[tilespmem:s11], [sflag:s26] =	stream.linear.gather @!p4 [hbm4b:s16+s21], $0x50, $0x38;
	[tilespmem:$0x19CE0] =	vst v63  }
0x79: {  	p3 =	sne.s32 s8, $0x17;
	s11 =	sadd.s32 s20, s23;
	s21 =	smov.u32 s14  }
0x7a: {  	s16 =	smov.u32 s17;
	s22 =	sadd.s32 $0xFFFFFF0B, s11;
	s11 =	sadd.s32 $0x2, s11  }
0x7b: {  	s14 =	sadd.s32 $0x50, s14;
	s17 =	sadd.s32 $0xA, s17;
	s18 =	sand.u32 $0x3, s11  }
0x7c: {  	s24 =	smul.u32 $0x5000, s18;
	s26 =	sadd.s32 $0x7, s18;
	s28 =	sxor.u32 $0x2, s18  }
0x7d: {  	p2 =	sgt.u32 s11, $0xF7;
	s0 =	sadd.s32 $0xB, s28;
	_ =	swait.ge [sflag:s26], $0x1400  }
0x7e: {  	s11 =	sshrl.u32 s24, $0x2;
	s24 =	smul.u32 @!p2 $0x140, s28;
	[sflag:s26] =	ssyncset.done $0x0  }
0x7f: {  	s11 =	sadd.s32 $0xADA0, s11;
	[sflag:s26] =	ssyncadd.s32 $0xFFFFEC00;
	s26 =	sadd.s32 $0xB, s18  }
0x80: {  	p4 =	seq.s32 @!p2 s22, $0x0;
	s4 =	smul.u32 @!p2 $0x5000, s28;
	s18 =	sadd.s32 @!p2 $0x7, s28  }
0x81: {  	[spmem:s3] =	stream.indirect.scatter.add.f32 [tilespmem:s11], [sflag:s26], $0x40, s21, s30, $0xb8;
	[tilespmem:$0x19CE0] =	vst v63  }
0x82: {  	p4 =	por p4, p2;
	s11 =	sadd.s32 @!p2 $0x3, s28;
	_ =	swait.ge [sflag:s0], $0x1400  }
0x83: {  	s20 =	sadd.s32 @!p4 s20, s23;
	s21 =	sshrl.u32 @!p2 s24, $0x2;
	[sflag:s0] =	ssyncset.done $0x0  }
.Ltmp0:
0x84: {  	[sflag:s0] =	ssyncadd.s32 $0xFFFFEC00;
	s0 =	sadd.s32 @!p4 $0x5, s20;
	(pc) =	sbr.rel @p3 .LBB2_3-.Ltmp0, $4  }
0x85: {  	s4 =	sshrl.u32 @!p2 s4, $0x2;
	_ =	swait.ge @!p2 [sflag:s11], $0x50;
	s0 =	sand.u32 @!p4 $0x3, s0  }
0x86: {  	s20 =	sadd.s32 @!p2 $0xFDA0, s21;
	[sflag:s11] =	ssyncset.done @!p2 $0x0;
	s22 =	smul.u32 @!p4 $0x140, s0  }
0x87: {  	s28 =	sadd.s32 @!p2 $0xADA0, s4;
	s21 =	simm.s32 @!p4 $0x0;
	s26 =	sadd.s32 @!p4 $0x3, s0  }
0x88: {  	s24 =	simm.s32 @!p2 $0x50;
	[sflag:s11] =	ssyncadd.s32 @!p2 $0xFFFFFFB0;
	s22 =	sshrl.u32 @!p4 s22, $0x2  }
0x89: {  	[tilespmem:s28], [sflag:s18] =	stream.indirect.gather @!p2 [spmem:s2], $0x40, s20, s24, $0xb8;
	[tilespmem:$0x19CE0] =	vst v63  }
0x8a: {  	s0 =	sadd.s32 @!p4 $0xFDA0, s22;
	s28 =	sadd.s32 $0xB, s13  }
0x8b: {  	[tilespmem:s0], [sflag:s26] =	stream.linear.gather @!p4 [hbm4b:s16+s21], $0x50, $0x38;
	[tilespmem:$0x19CE0] =	vst v63  }
0x8c: {  	p2 =	sne.s32 s5, $0xA;
	_ =	swait.ge [sflag:s28], $0x1400  }
.Ltmp1:
0x8d: {  	[sflag:s28] =	ssyncset.done $0x0;
	(pc) =	sbr.rel @p2 .LBB2_2-.Ltmp1, $4  }
0x8e: {  	[sflag:s28] =	ssyncadd.s32 $0xFFFFEC00  }
0x8f: {  	_ =	swait.ge [sflag:s12], $0x1400  }
0x90: {  	p1 =	por !p1, !p1;
	s23 =	sadd.s32 $0x19, s23;
	[sflag:s12] =	ssyncset.done $0x0  }
0x91: {  	s31 =	sadd.s32 $0xFA, s31;
	s8 =	smov.u32 s5;
	[sflag:s12] =	ssyncadd.s32 $0xFFFFEC00  }
0x92: {  	s0 =	stileid.u32;
	[bflag:$0x0] =	sbarrier.arrive $0xFFFF  }
0x93: {  	s0 =	sshll.u32 s0, $0x6;
	s4 =	rddreg [dreg:$0x6]  }
0x94: {  	s5 =	rddreg [dreg:$0x11];
	s0 =	sor.u32 $0x1C0F, s0;
	s4 =	sshrl.u32 s4, $0x3  }
0x95: {  	[hbm:s5], [sflag:s0] =	dma.local [spmem:s4], $0x13C0  }
0x96: {  	_ =	swait.ge [sflag:s25], $0x13C0  }
0x97: {  	s29 =	sadd.s32 $0x1, s29;
	s31 =	rddreg [dreg:$0xa]  }
0x98: {  	p1 =	sne.s32 s29, s31  }
.Ltmp2:
0x99: {  	_ = 	snop;
	(pc) =	sbr.rel @p1 .LBB2_1-.Ltmp2, $3  }
0x9a: {  	_ =	sdelay $0x1  }
0x9b: {  	[sflag:s25] =	ssyncset.done $0x0  }
0x9c: {  	[sflag:s25] =	ssyncadd.s32 $0xFFFFEC40  }
0x9d: {  	_ =	sfence.sel $0x180000  }
0x9e: {  	[bflag:$0x0] =	sbarrier.arrive $0xFFFF  }
0x9f: {  	_ =	strace $0x90000047  }
0xa0: {  	s0 =	stileid.u32;
	[bflag:$0x2] =	sbarrier.arrive $0xFFFF  }
0xa1: {  	p0 =	sne.s32 s0, $0x0;
	s0 =	rddreg [dreg:$0x5]  }
0xa2: {  	s0 =	sadd.s32 @!p0 $0x100000, s0  }
0xa3: {  	[sflag:s0] =	ssyncadd.tile.s32 @!p0 $0x1;
	_ =	shalt  }
.Lfunc_end2:
_tile_overlayer_lowered:
.L_overlay_start_2:
0xa4: {  	(tag) =	ssettag $0x2  }
0xa5: {  	s0 =	rddreg [dreg:$0x0];
	s2 =	stileid.u32  }
0xa6: {  	s1 =	rddreg [dreg:$0x1];
	p0 =	sne.s32 s2, $0x0  }
0xa7: {  	s3 =	rddreg [dreg:$0x2];
	[bflag:$0x3] =	sbarrier.arrive $0xFFFF;
	s2 =	simm.s32 @!p0 $0x1C0F  }
0xa8: {  	[timem:s3], [sflag:s2] =	dma.local @!p0 [hbm:s0], s1  }
0xa9: {  	s0 =	simm.s32 @!p0 $0xF  }
0xaa: {  	_ =	swait.ge @!p0 [sflag:s0], s1  }
0xab: {  	s1 =	ssub.s32 @!p0 $0x0, s1;
	[sflag:s0] =	ssyncset.done @!p0 $0x0  }
0xac: {  	[sflag:s0] =	ssyncadd.s32 @!p0 s1  }
0xad: {  	[bflag:$0x3] =	sbarrier.arrive $0xFFFF  }
0xae: {  	_ =	shalt  }

</sc_bundles>
